<compile_context>
chip_gen: v7x
topology: tpu7x:2x2x1
jax: 0.10.2.dev20260603
libtpu: 0.0.44.dev20260713+nightly
codegen_flags: <defaults>
</compile_context>

<pallas_src>
import functools

import jax
import jax.numpy as jnp
from jax import lax
from jax.experimental import pallas as pl
from jax.experimental.pallas import tpu as pltpu
from jax.experimental.pallas import tpu_sc as plsc


def _build(C, N, S):
    L = 16
    NW = 32
    R = C * N
    T = 160
    CW = T * S
    NCH = R // T
    G = T // L

    mesh = plsc.VectorSubcoreMesh(core_axis_name="c", subcore_axis_name="s")

    @functools.partial(
        pl.kernel,
        out_type=jax.ShapeDtypeStruct((R,), jnp.float32),
        mesh=mesh,
        scratch_types=[
            pltpu.VMEM((N,), jnp.float32),
            pltpu.VMEM((2 * CW,), jnp.int32),
            pltpu.VMEM((2 * CW,), jnp.float32),
            pltpu.VMEM((2 * T,), jnp.float32),
            pltpu.SemaphoreType.DMA,
            pltpu.SemaphoreType.DMA,
        ],
        compiler_params=pltpu.CompilerParams(needs_layout_passes=False),
    )
    def k(op_hbm, deltas_hbm, leaves_hbm, out_hbm, table_v, lv_v, dv_v, out_v,
          sem_in, sem_out):
        wid = lax.axis_index("s") * 2 + lax.axis_index("c")
        nch = (NCH - wid + NW - 1) // NW
        ray_off = lax.iota(jnp.int32, L) * S

        def start_in(c, badd):
            pltpu.async_copy(
                leaves_hbm.at[pl.ds(c * CW, CW)], lv_v.at[pl.ds(badd, CW)],
                sem_in)
            pltpu.async_copy(
                deltas_hbm.at[pl.ds(c * CW, CW)], dv_v.at[pl.ds(badd, CW)],
                sem_in)

        def wait_in():
            pltpu.make_async_copy(
                leaves_hbm.at[pl.ds(0, CW)], lv_v.at[pl.ds(0, CW)],
                sem_in).wait()
            pltpu.make_async_copy(
                deltas_hbm.at[pl.ds(0, CW)], dv_v.at[pl.ds(0, CW)],
                sem_in).wait()

        def wait_out():
            pltpu.make_async_copy(
                out_v.at[pl.ds(0, T)], out_hbm.at[pl.ds(0, T)],
                sem_out).wait()

        start_in(wid, 0)
        pltpu.sync_copy(op_hbm, table_v)

        def chunk_body(i, _):
            badd = lax.rem(i, 2) * CW
            obase = lax.rem(i, 2) * T
            c = wid + i * NW

            @pl.when(i + 1 < nch)
            def _():
                start_in(c + NW, CW - badd)

            wait_in()

            @pl.when(i >= 2)
            def _():
                wait_out()

            def group_body(g, _):
                coff = badd + g * (L * S)
                accs = [jnp.zeros((L,), jnp.float32) for _ in range(4)]
                for s in range(S):
                    idx = ray_off + (coff + s)
                    leaf = plsc.load_gather(lv_v, [idx])
                    dv = plsc.load_gather(dv_v, [idx])
                    op = plsc.load_gather(table_v, [leaf])
                    accs[s % 4] = accs[s % 4] + op * dv
                acc = (accs[0] + accs[1]) + (accs[2] + accs[3])
                out_v[pl.ds(obase + g * L, L)] = 1.0 - jnp.exp(-acc)
                return 0

            lax.fori_loop(0, G, group_body, 0)
            pltpu.async_copy(
                out_v.at[pl.ds(obase, T)], out_hbm.at[pl.ds(c * T, T)],
                sem_out)
            return 0

        lax.fori_loop(0, nch, chunk_body, 0)
        wait_out()
        wait_out()

    return k


def kernel(opacity, deltas, leaves):
    C, N, S = deltas.shape
    k = _build(C, N, S)
    out = k(opacity, deltas.reshape(-1), leaves.reshape(-1))
    return out.reshape(C, N)

# --- scband reference (transcript-rebuilt; emitter-appended) ---
"""Pipeline reference for scband-occupancy-6571299963201 (READ-ONLY COPY).

The authoritative reference and input builder live on the scoring server;
editing this copy changes nothing except your own understanding.
"""

import jax, jax.numpy as jnp
import numpy as np

C, N, S = 8, 100000, 32

def setup_inputs(seed: int = 0) -> dict:
    key = jax.random.key(seed)
    k1, k2, k3 = jax.random.split(key, 3)
    opacity = jax.random.uniform(k1, (N,), dtype=jnp.float32)
    deltas = jax.random.uniform(k2, (C, N, S), dtype=jnp.float32) * 0.1
    leaves = jax.random.randint(k3, (C, N, S), 0, N, dtype=jnp.int32)
    return {"opacity": opacity, "deltas": deltas, "leaves": leaves}

def reference(opacity, deltas, leaves):
    # Faithful vectorization of the per-camera loop in Occupancy.forward:
    # gather opacity at each ray-voxel intersection, compute alpha compositing
    # weights via cumulative transmittance, and sum along each ray.
    op = opacity[leaves]                               # [C, N, S] gather
    alpha = 1.0 - jnp.exp(-(op * deltas))              # [C, N, S]
    trans = jnp.minimum(1.0, 1.0 - alpha + 1e-10)      # torch.minimum(1, ...)
    left_trans = jnp.ones(trans.shape[:-1] + (1,), dtype=trans.dtype)
    # drop first transmittance, prepend ones (shifted transmittance)
    trans = jnp.concatenate([left_trans, trans[..., :-1]], axis=-1)
    weights = alpha * jnp.cumprod(trans, axis=-1)      # [C, N, S]
    out = weights.sum(axis=-1)                         # [C, N] (stacked cam outputs)
    return out

if __name__ == "__main__":
    import jax
    _d = setup_inputs()
    print(jax.jit(kernel)(*tuple(_d.values())))

</pallas_src>

<mosaic_0001>
#map = affine_map<(d0, d1) -> (0)>
module attributes {stable_mosaic.version = 14 : i64} {
  func.func @k(%arg0: i32, %arg1: i32, %arg2: memref<100000xf32, #tpu.memory_space<hbm>>, %arg3: memref<25600000xf32, #tpu.memory_space<hbm>>, %arg4: memref<25600000xi32, #tpu.memory_space<hbm>>, %arg5: memref<800000xf32, #tpu.memory_space<hbm>>, %arg6: memref<100000xf32, #tpu.memory_space<vmem>>, %arg7: memref<10240xi32, #tpu.memory_space<vmem>>, %arg8: memref<10240xf32, #tpu.memory_space<vmem>>, %arg9: memref<320xf32, #tpu.memory_space<vmem>>, %arg10: memref<!tpu.dma_semaphore, #tpu.memory_space<semaphore_mem>>, %arg11: memref<!tpu.dma_semaphore, #tpu.memory_space<semaphore_mem>>) attributes {dimension_semantics = [#tpu.dimension_semantics<core_parallel>, #tpu.dimension_semantics<subcore_parallel>], iteration_bounds = array<i64: 2, 16>, scalar_prefetch = 0 : i64, scratch_operands = 6 : i64, tpu.core_type = #tpu.core_type<sc_vector_subcore>, window_params = [{transform_indices = #map}, {transform_indices = #map}, {transform_indices = #map}, {transform_indices = #map}]} {
    %mul3A = arith.constant 2 : i32
    %mul3A_0 = arith.muli %arg1, %mul3A : i32
    %add3A = arith.addi %mul3A_0, %arg0 : i32
    %sub3A = arith.constant 5000 : i32
    %sub3A_1 = arith.subi %sub3A, %add3A : i32
    %add3A_2 = arith.constant 32 : i32
    %add3A_3 = arith.addi %sub3A_1, %add3A_2 : i32
    %sub3A_4 = arith.constant 1 : i32
    %sub3A_5 = arith.subi %add3A_3, %sub3A_4 : i32
    %jit3A = arith.constant 32 : i32
    %div3A = arith.divsi %sub3A_5, %jit3A : i32
    %sign3A = arith.constant 0 : i32
    %sign3A_6 = arith.cmpi sgt, %sub3A_5, %sign3A : i32
    %sign3A_7 = arith.extui %sign3A_6 : i1 to i32
    %sign3A_8 = arith.constant 0 : i32
    %sign3A_9 = arith.cmpi slt, %sub3A_5, %sign3A_8 : i32
    %sign3A_10 = arith.extui %sign3A_9 : i1 to i32
    %sign3A_11 = arith.subi %sign3A_7, %sign3A_10 : i32
    %sign3A_12 = arith.constant 0 : i32
    %sign3A_13 = arith.cmpi sgt, %jit3A, %sign3A_12 : i32
    %sign3A_14 = arith.extui %sign3A_13 : i1 to i32
    %sign3A_15 = arith.constant 0 : i32
    %sign3A_16 = arith.cmpi slt, %jit3A, %sign3A_15 : i32
    %sign3A_17 = arith.extui %sign3A_16 : i1 to i32
    %sign3A_18 = arith.subi %sign3A_14, %sign3A_17 : i32
    %ne3A = arith.cmpi ne, %sign3A_11, %sign3A_18 : i32
    %rem3A = arith.remsi %sub3A_5, %jit3A : i32
    %ne3A_19 = arith.constant 0 : i32
    %ne3A_20 = arith.cmpi ne, %rem3A, %ne3A_19 : i32
    %and3A = arith.andi %ne3A, %ne3A_20 : i1
    %sub3A_21 = arith.constant 1 : i32
    %sub3A_22 = arith.subi %div3A, %sub3A_21 : i32
    %select_n3A = arith.select %and3A, %sub3A_22, %div3A : i32
    %iota3A = tpu.iota {dimensions = array<i32: 0>} : vector<16xi32>
    %mul3A_23 = arith.constant 32 : i32
    %mul3A_24 = vector.broadcast %mul3A_23 : i32 to vector<16xi32>
    %mul3A_25 = arith.muli %iota3A, %mul3A_24 : vector<16xi32>
    %mul3A_26 = arith.constant 5120 : i32
    %mul3A_27 = arith.muli %add3A, %mul3A_26 : i32
    %dma_start3A = arith.constant 0 : i32
    %dma_start3A_28 = tpu.memref_slice %arg7[%dma_start3A] : memref<10240xi32, #tpu.memory_space<vmem>> -> memref<5120xi32, #tpu.memory_space<vmem>>
    %dma_start3A_29 = tpu.memref_slice %arg4[%mul3A_27] : memref<25600000xi32, #tpu.memory_space<hbm>> -> memref<5120xi32, #tpu.memory_space<hbm>>
    %dma_start3A_30 = arith.constant 0 : i32
    %dma_start3A_31 = tpu.memref_slice %arg7[%dma_start3A_30] : memref<10240xi32, #tpu.memory_space<vmem>> -> memref<5120xi32, #tpu.memory_space<vmem>>
    %dma_start3A_32 = tpu.memref_slice %arg4[%mul3A_27] : memref<25600000xi32, #tpu.memory_space<hbm>> -> memref<5120xi32, #tpu.memory_space<hbm>>
    tpu.enqueue_dma source(%dma_start3A_32 : memref<5120xi32, #tpu.memory_space<hbm>>) target(%dma_start3A_31 : memref<5120xi32, #tpu.memory_space<vmem>>) target_semaphore(%arg10 : memref<!tpu.dma_semaphore, #tpu.memory_space<semaphore_mem>>)
    %mul3A_33 = arith.constant 5120 : i32
    %mul3A_34 = arith.muli %add3A, %mul3A_33 : i32
    %dma_start3A_35 = arith.constant 0 : i32
    %dma_start3A_36 = tpu.memref_slice %arg8[%dma_start3A_35] : memref<10240xf32, #tpu.memory_space<vmem>> -> memref<5120xf32, #tpu.memory_space<vmem>>
    %dma_start3A_37 = tpu.memref_slice %arg3[%mul3A_34] : memref<25600000xf32, #tpu.memory_space<hbm>> -> memref<5120xf32, #tpu.memory_space<hbm>>
    %dma_start3A_38 = arith.constant 0 : i32
    %dma_start3A_39 = tpu.memref_slice %arg8[%dma_start3A_38] : memref<10240xf32, #tpu.memory_space<vmem>> -> memref<5120xf32, #tpu.memory_space<vmem>>
    %dma_start3A_40 = tpu.memref_slice %arg3[%mul3A_34] : memref<25600000xf32, #tpu.memory_space<hbm>> -> memref<5120xf32, #tpu.memory_space<hbm>>
    tpu.enqueue_dma source(%dma_start3A_40 : memref<5120xf32, #tpu.memory_space<hbm>>) target(%dma_start3A_39 : memref<5120xf32, #tpu.memory_space<vmem>>) target_semaphore(%arg10 : memref<!tpu.dma_semaphore, #tpu.memory_space<semaphore_mem>>)
    "tpu.region"() ({
      %run_scoped3A = tpu.sem_alloc : memref<!tpu.dma_semaphore, #tpu.memory_space<semaphore_mem>>
      tpu.enqueue_dma source(%arg2 : memref<100000xf32, #tpu.memory_space<hbm>>) target(%arg6 : memref<100000xf32, #tpu.memory_space<vmem>>) target_semaphore(%run_scoped3A : memref<!tpu.dma_semaphore, #tpu.memory_space<semaphore_mem>>)
      tpu.wait_dma2 semaphore(%run_scoped3A : memref<!tpu.dma_semaphore, #tpu.memory_space<semaphore_mem>>) src(%arg2 : memref<100000xf32, #tpu.memory_space<hbm>>) dst(%arg6 : memref<100000xf32, #tpu.memory_space<vmem>>)
      tpu.yield
    }) : () -> ()
    %while3A = arith.constant 0 : i32
    %while3A_41 = arith.constant 0 : i32
    %while3A_42 = arith.subi %select_n3A, %while3A : i32
    %while3A_43 = arith.addi %while3A, %while3A_42 : i32
    %while3A_44 = arith.constant 1 : i32
    %while3A_45 = arith.divsi %while3A_42, %while3A_44 : i32
    %while3A_46 = arith.muli %while3A_45, %while3A_44 : i32
    %while3A_47 = arith.addi %while3A, %while3A_46 : i32
    %while3A_48 = arith.constant 1 : i32
    %while3A_49 = scf.for %while3A_67 = %while3A to %while3A_47 step %while3A_48 iter_args(%while3A_68 = %while3A_41) -> (i32)  : i32 {
      %rem3A_69 = arith.constant 2 : i32
      %rem3A_70 = arith.remsi %while3A_67, %rem3A_69 : i32
      %mul3A_71 = arith.constant 5120 : i32
      %mul3A_72 = arith.muli %rem3A_70, %mul3A_71 : i32
      %rem3A_73 = arith.constant 2 : i32
      %rem3A_74 = arith.remsi %while3A_67, %rem3A_73 : i32
      %mul3A_75 = arith.constant 160 : i32
      %mul3A_76 = arith.muli %rem3A_74, %mul3A_75 : i32
      %mul3A_77 = arith.constant 32 : i32
      %mul3A_78 = arith.muli %while3A_67, %mul3A_77 : i32
      %add3A_79 = arith.addi %add3A, %mul3A_78 : i32
      %add3A_80 = arith.constant 1 : i32
      %add3A_81 = arith.addi %while3A_67, %add3A_80 : i32
      %lt3A = arith.cmpi slt, %add3A_81, %select_n3A : i32
      %convert_element_type3A = arith.extui %lt3A : i1 to i32
      %cond3A = arith.constant 0 : i32
      %cond3A_82 = arith.cmpi ne, %convert_element_type3A, %cond3A : i32
      scf.if %cond3A_82 {
        %add3A_116 = arith.constant 32 : i32
        %add3A_117 = arith.addi %add3A_79, %add3A_116 : i32
        %sub3A_118 = arith.constant 5120 : i32
        %sub3A_119 = arith.subi %sub3A_118, %mul3A_72 : i32
        %mul3A_120 = arith.constant 5120 : i32
        %mul3A_121 = arith.muli %add3A_117, %mul3A_120 : i32
        %dma_start3A_122 = tpu.memref_slice %arg7[%sub3A_119] : memref<10240xi32, #tpu.memory_space<vmem>> -> memref<5120xi32, #tpu.memory_space<vmem>>
        %dma_start3A_123 = tpu.memref_slice %arg4[%mul3A_121] : memref<25600000xi32, #tpu.memory_space<hbm>> -> memref<5120xi32, #tpu.memory_space<hbm>>
        %dma_start3A_124 = tpu.memref_slice %arg7[%sub3A_119] : memref<10240xi32, #tpu.memory_space<vmem>> -> memref<5120xi32, #tpu.memory_space<vmem>>
        %dma_start3A_125 = tpu.memref_slice %arg4[%mul3A_121] : memref<25600000xi32, #tpu.memory_space<hbm>> -> memref<5120xi32, #tpu.memory_space<hbm>>
        tpu.enqueue_dma source(%dma_start3A_125 : memref<5120xi32, #tpu.memory_space<hbm>>) target(%dma_start3A_124 : memref<5120xi32, #tpu.memory_space<vmem>>) target_semaphore(%arg10 : memref<!tpu.dma_semaphore, #tpu.memory_space<semaphore_mem>>)
        %mul3A_126 = arith.constant 5120 : i32
        %mul3A_127 = arith.muli %add3A_117, %mul3A_126 : i32
        %dma_start3A_128 = tpu.memref_slice %arg8[%sub3A_119] : memref<10240xf32, #tpu.memory_space<vmem>> -> memref<5120xf32, #tpu.memory_space<vmem>>
        %dma_start3A_129 = tpu.memref_slice %arg3[%mul3A_127] : memref<25600000xf32, #tpu.memory_space<hbm>> -> memref<5120xf32, #tpu.memory_space<hbm>>
        %dma_start3A_130 = tpu.memref_slice %arg8[%sub3A_119] : memref<10240xf32, #tpu.memory_space<vmem>> -> memref<5120xf32, #tpu.memory_space<vmem>>
        %dma_start3A_131 = tpu.memref_slice %arg3[%mul3A_127] : memref<25600000xf32, #tpu.memory_space<hbm>> -> memref<5120xf32, #tpu.memory_space<hbm>>
        tpu.enqueue_dma source(%dma_start3A_131 : memref<5120xf32, #tpu.memory_space<hbm>>) target(%dma_start3A_130 : memref<5120xf32, #tpu.memory_space<vmem>>) target_semaphore(%arg10 : memref<!tpu.dma_semaphore, #tpu.memory_space<semaphore_mem>>)
      } else {
      }
      %dma_wait3A_83 = arith.constant 0 : i32
      %dma_wait3A_84 = tpu.memref_slice %arg7[%dma_wait3A_83] : memref<10240xi32, #tpu.memory_space<vmem>> -> memref<5120xi32, #tpu.memory_space<vmem>>
      %dma_wait3A_85 = arith.constant 0 : i32
      %dma_wait3A_86 = tpu.memref_slice %arg4[%dma_wait3A_85] : memref<25600000xi32, #tpu.memory_space<hbm>> -> memref<5120xi32, #tpu.memory_space<hbm>>
      %dma_wait3A_87 = arith.constant 0 : i32
      %dma_wait3A_88 = tpu.memref_slice %arg7[%dma_wait3A_87] : memref<10240xi32, #tpu.memory_space<vmem>> -> memref<5120xi32, #tpu.memory_space<vmem>>
      %dma_wait3A_89 = arith.constant 0 : i32
      %dma_wait3A_90 = tpu.memref_slice %arg4[%dma_wait3A_89] : memref<25600000xi32, #tpu.memory_space<hbm>> -> memref<5120xi32, #tpu.memory_space<hbm>>
      tpu.wait_dma2 semaphore(%arg10 : memref<!tpu.dma_semaphore, #tpu.memory_space<semaphore_mem>>) src(%dma_wait3A_90 : memref<5120xi32, #tpu.memory_space<hbm>>) dst(%dma_wait3A_88 : memref<5120xi32, #tpu.memory_space<vmem>>)
      %dma_wait3A_91 = arith.constant 0 : i32
      %dma_wait3A_92 = tpu.memref_slice %arg8[%dma_wait3A_91] : memref<10240xf32, #tpu.memory_space<vmem>> -> memref<5120xf32, #tpu.memory_space<vmem>>
      %dma_wait3A_93 = arith.constant 0 : i32
      %dma_wait3A_94 = tpu.memref_slice %arg3[%dma_wait3A_93] : memref<25600000xf32, #tpu.memory_space<hbm>> -> memref<5120xf32, #tpu.memory_space<hbm>>
      %dma_wait3A_95 = arith.constant 0 : i32
      %dma_wait3A_96 = tpu.memref_slice %arg8[%dma_wait3A_95] : memref<10240xf32, #tpu.memory_space<vmem>> -> memref<5120xf32, #tpu.memory_space<vmem>>
      %dma_wait3A_97 = arith.constant 0 : i32
      %dma_wait3A_98 = tpu.memref_slice %arg3[%dma_wait3A_97] : memref<25600000xf32, #tpu.memory_space<hbm>> -> memref<5120xf32, #tpu.memory_space<hbm>>
      tpu.wait_dma2 semaphore(%arg10 : memref<!tpu.dma_semaphore, #tpu.memory_space<semaphore_mem>>) src(%dma_wait3A_98 : memref<5120xf32, #tpu.memory_space<hbm>>) dst(%dma_wait3A_96 : memref<5120xf32, #tpu.memory_space<vmem>>)
      %ge3A = arith.constant 2 : i32
      %ge3A_99 = arith.cmpi sge, %while3A_67, %ge3A : i32
      %convert_element_type3A_100 = arith.extui %ge3A_99 : i1 to i32
      %cond3A_101 = arith.constant 0 : i32
      %cond3A_102 = arith.cmpi ne, %convert_element_type3A_100, %cond3A_101 : i32
      scf.if %cond3A_102 {
        %dma_wait3A_116 = arith.constant 0 : i32
        %dma_wait3A_117 = tpu.memref_slice %arg9[%dma_wait3A_116] : memref<320xf32, #tpu.memory_space<vmem>> -> memref<160xf32, #tpu.memory_space<vmem>>
        %dma_wait3A_118 = arith.constant 0 : i32
        %dma_wait3A_119 = tpu.memref_slice %arg5[%dma_wait3A_118] : memref<800000xf32, #tpu.memory_space<hbm>> -> memref<160xf32, #tpu.memory_space<hbm>>
        %dma_wait3A_120 = arith.constant 0 : i32
        %dma_wait3A_121 = tpu.memref_slice %arg5[%dma_wait3A_120] : memref<800000xf32, #tpu.memory_space<hbm>> -> memref<160xf32, #tpu.memory_space<hbm>>
        %dma_wait3A_122 = arith.constant 0 : i32
        %dma_wait3A_123 = tpu.memref_slice %arg9[%dma_wait3A_122] : memref<320xf32, #tpu.memory_space<vmem>> -> memref<160xf32, #tpu.memory_space<vmem>>
        tpu.wait_dma2 semaphore(%arg11 : memref<!tpu.dma_semaphore, #tpu.memory_space<semaphore_mem>>) src(%dma_wait3A_123 : memref<160xf32, #tpu.memory_space<vmem>>) dst(%dma_wait3A_121 : memref<160xf32, #tpu.memory_space<hbm>>)
      } else {
      }
      %scan3A = arith.constant 0 : i32
      %scan3A_103 = arith.constant 0 : i32
      %scan3A_104 = arith.constant 10 : i32
      %scan3A_105 = arith.addi %scan3A_103, %scan3A_104 : i32
      %scan3A_106 = arith.constant 1 : i32
      %scan3A_107 = scf.for %scan3A_116 = %scan3A_103 to %scan3A_105 step %scan3A_106 iter_args(%scan3A_117 = %scan3A) -> (i32)  : i32 {
        %mul3A_118 = arith.constant 512 : i32
        %mul3A_119 = arith.muli %scan3A_116, %mul3A_118 : i32
        %add3A_120 = arith.addi %mul3A_72, %mul3A_119 : i32
        %broadcast_in_dim3A = arith.constant 0.000000e+00 : f32
        %broadcast_in_dim3A_121 = vector.broadcast %broadcast_in_dim3A : f32 to vector<16xf32>
        %broadcast_in_dim3A_122 = arith.constant 0.000000e+00 : f32
        %broadcast_in_dim3A_123 = vector.broadcast %broadcast_in_dim3A_122 : f32 to vector<16xf32>
        %broadcast_in_dim3A_124 = arith.constant 0.000000e+00 : f32
        %broadcast_in_dim3A_125 = vector.broadcast %broadcast_in_dim3A_124 : f32 to vector<16xf32>
        %broadcast_in_dim3A_126 = arith.constant 0.000000e+00 : f32
        %broadcast_in_dim3A_127 = vector.broadcast %broadcast_in_dim3A_126 : f32 to vector<16xf32>
        %add3A_128 = arith.constant 0 : i32
        %add3A_129 = arith.addi %add3A_120, %add3A_128 : i32
        %add3A_130 = vector.broadcast %add3A_129 : i32 to vector<16xi32>
        %add3A_131 = arith.addi %mul3A_25, %add3A_130 : vector<16xi32>
        %gather3A = tpu.vector_load_idx %arg7[%add3A_131] : memref<10240xi32, #tpu.memory_space<vmem>>[vector<16xi32>], vector<16xi32>,
        %gather3A_132 = tpu.vector_load_idx %arg8[%add3A_131] : memref<10240xf32, #tpu.memory_space<vmem>>[vector<16xi32>], vector<16xf32>,
        %gather3A_133 = tpu.vector_load_idx %arg6[%gather3A] : memref<100000xf32, #tpu.memory_space<vmem>>[vector<16xi32>], vector<16xf32>,
        %mul3A_134 = arith.mulf %gather3A_133, %gather3A_132 : vector<16xf32>
        %add3A_135 = arith.addf %broadcast_in_dim3A_121, %mul3A_134 : vector<16xf32>
        %add3A_136 = arith.constant 1 : i32
        %add3A_137 = arith.addi %add3A_120, %add3A_136 : i32
        %add3A_138 = vector.broadcast %add3A_137 : i32 to vector<16xi32>
        %add3A_139 = arith.addi %mul3A_25, %add3A_138 : vector<16xi32>
        %gather3A_140 = tpu.vector_load_idx %arg7[%add3A_139] : memref<10240xi32, #tpu.memory_space<vmem>>[vector<16xi32>], vector<16xi32>,
        %gather3A_141 = tpu.vector_load_idx %arg8[%add3A_139] : memref<10240xf32, #tpu.memory_space<vmem>>[vector<16xi32>], vector<16xf32>,
        %gather3A_142 = tpu.vector_load_idx %arg6[%gather3A_140] : memref<100000xf32, #tpu.memory_space<vmem>>[vector<16xi32>], vector<16xf32>,
        %mul3A_143 = arith.mulf %gather3A_142, %gather3A_141 : vector<16xf32>
        %add3A_144 = arith.addf %broadcast_in_dim3A_123, %mul3A_143 : vector<16xf32>
        %add3A_145 = arith.constant 2 : i32
        %add3A_146 = arith.addi %add3A_120, %add3A_145 : i32
        %add3A_147 = vector.broadcast %add3A_146 : i32 to vector<16xi32>
        %add3A_148 = arith.addi %mul3A_25, %add3A_147 : vector<16xi32>
        %gather3A_149 = tpu.vector_load_idx %arg7[%add3A_148] : memref<10240xi32, #tpu.memory_space<vmem>>[vector<16xi32>], vector<16xi32>,
        %gather3A_150 = tpu.vector_load_idx %arg8[%add3A_148] : memref<10240xf32, #tpu.memory_space<vmem>>[vector<16xi32>], vector<16xf32>,
        %gather3A_151 = tpu.vector_load_idx %arg6[%gather3A_149] : memref<100000xf32, #tpu.memory_space<vmem>>[vector<16xi32>], vector<16xf32>,
        %mul3A_152 = arith.mulf %gather3A_151, %gather3A_150 : vector<16xf32>
        %add3A_153 = arith.addf %broadcast_in_dim3A_125, %mul3A_152 : vector<16xf32>
        %add3A_154 = arith.constant 3 : i32
        %add3A_155 = arith.addi %add3A_120, %add3A_154 : i32
        %add3A_156 = vector.broadcast %add3A_155 : i32 to vector<16xi32>
        %add3A_157 = arith.addi %mul3A_25, %add3A_156 : vector<16xi32>
        %gather3A_158 = tpu.vector_load_idx %arg7[%add3A_157] : memref<10240xi32, #tpu.memory_space<vmem>>[vector<16xi32>], vector<16xi32>,
        %gather3A_159 = tpu.vector_load_idx %arg8[%add3A_157] : memref<10240xf32, #tpu.memory_space<vmem>>[vector<16xi32>], vector<16xf32>,
        %gather3A_160 = tpu.vector_load_idx %arg6[%gather3A_158] : memref<100000xf32, #tpu.memory_space<vmem>>[vector<16xi32>], vector<16xf32>,
        %mul3A_161 = arith.mulf %gather3A_160, %gather3A_159 : vector<16xf32>
        %add3A_162 = arith.addf %broadcast_in_dim3A_127, %mul3A_161 : vector<16xf32>
        %add3A_163 = arith.constant 4 : i32
        %add3A_164 = arith.addi %add3A_120, %add3A_163 : i32
        %add3A_165 = vector.broadcast %add3A_164 : i32 to vector<16xi32>
        %add3A_166 = arith.addi %mul3A_25, %add3A_165 : vector<16xi32>
        %gather3A_167 = tpu.vector_load_idx %arg7[%add3A_166] : memref<10240xi32, #tpu.memory_space<vmem>>[vector<16xi32>], vector<16xi32>,
        %gather3A_168 = tpu.vector_load_idx %arg8[%add3A_166] : memref<10240xf32, #tpu.memory_space<vmem>>[vector<16xi32>], vector<16xf32>,
        %gather3A_169 = tpu.vector_load_idx %arg6[%gather3A_167] : memref<100000xf32, #tpu.memory_space<vmem>>[vector<16xi32>], vector<16xf32>,
        %mul3A_170 = arith.mulf %gather3A_169, %gather3A_168 : vector<16xf32>
        %add3A_171 = arith.addf %add3A_135, %mul3A_170 : vector<16xf32>
        %add3A_172 = arith.constant 5 : i32
        %add3A_173 = arith.addi %add3A_120, %add3A_172 : i32
        %add3A_174 = vector.broadcast %add3A_173 : i32 to vector<16xi32>
        %add3A_175 = arith.addi %mul3A_25, %add3A_174 : vector<16xi32>
        %gather3A_176 = tpu.vector_load_idx %arg7[%add3A_175] : memref<10240xi32, #tpu.memory_space<vmem>>[vector<16xi32>], vector<16xi32>,
        %gather3A_177 = tpu.vector_load_idx %arg8[%add3A_175] : memref<10240xf32, #tpu.memory_space<vmem>>[vector<16xi32>], vector<16xf32>,
        %gather3A_178 = tpu.vector_load_idx %arg6[%gather3A_176] : memref<100000xf32, #tpu.memory_space<vmem>>[vector<16xi32>], vector<16xf32>,
        %mul3A_179 = arith.mulf %gather3A_178, %gather3A_177 : vector<16xf32>
        %add3A_180 = arith.addf %add3A_144, %mul3A_179 : vector<16xf32>
        %add3A_181 = arith.constant 6 : i32
        %add3A_182 = arith.addi %add3A_120, %add3A_181 : i32
        %add3A_183 = vector.broadcast %add3A_182 : i32 to vector<16xi32>
        %add3A_184 = arith.addi %mul3A_25, %add3A_183 : vector<16xi32>
        %gather3A_185 = tpu.vector_load_idx %arg7[%add3A_184] : memref<10240xi32, #tpu.memory_space<vmem>>[vector<16xi32>], vector<16xi32>,
        %gather3A_186 = tpu.vector_load_idx %arg8[%add3A_184] : memref<10240xf32, #tpu.memory_space<vmem>>[vector<16xi32>], vector<16xf32>,
        %gather3A_187 = tpu.vector_load_idx %arg6[%gather3A_185] : memref<100000xf32, #tpu.memory_space<vmem>>[vector<16xi32>], vector<16xf32>,
        %mul3A_188 = arith.mulf %gather3A_187, %gather3A_186 : vector<16xf32>
        %add3A_189 = arith.addf %add3A_153, %mul3A_188 : vector<16xf32>
        %add3A_190 = arith.constant 7 : i32
        %add3A_191 = arith.addi %add3A_120, %add3A_190 : i32
        %add3A_192 = vector.broadcast %add3A_191 : i32 to vector<16xi32>
        %add3A_193 = arith.addi %mul3A_25, %add3A_192 : vector<16xi32>
        %gather3A_194 = tpu.vector_load_idx %arg7[%add3A_193] : memref<10240xi32, #tpu.memory_space<vmem>>[vector<16xi32>], vector<16xi32>,
        %gather3A_195 = tpu.vector_load_idx %arg8[%add3A_193] : memref<10240xf32, #tpu.memory_space<vmem>>[vector<16xi32>], vector<16xf32>,
        %gather3A_196 = tpu.vector_load_idx %arg6[%gather3A_194] : memref<100000xf32, #tpu.memory_space<vmem>>[vector<16xi32>], vector<16xf32>,
        %mul3A_197 = arith.mulf %gather3A_196, %gather3A_195 : vector<16xf32>
        %add3A_198 = arith.addf %add3A_162, %mul3A_197 : vector<16xf32>
        %add3A_199 = arith.constant 8 : i32
        %add3A_200 = arith.addi %add3A_120, %add3A_199 : i32
        %add3A_201 = vector.broadcast %add3A_200 : i32 to vector<16xi32>
        %add3A_202 = arith.addi %mul3A_25, %add3A_201 : vector<16xi32>
        %gather3A_203 = tpu.vector_load_idx %arg7[%add3A_202] : memref<10240xi32, #tpu.memory_space<vmem>>[vector<16xi32>], vector<16xi32>,
        %gather3A_204 = tpu.vector_load_idx %arg8[%add3A_202] : memref<10240xf32, #tpu.memory_space<vmem>>[vector<16xi32>], vector<16xf32>,
        %gather3A_205 = tpu.vector_load_idx %arg6[%gather3A_203] : memref<100000xf32, #tpu.memory_space<vmem>>[vector<16xi32>], vector<16xf32>,
        %mul3A_206 = arith.mulf %gather3A_205, %gather3A_204 : vector<16xf32>
        %add3A_207 = arith.addf %add3A_171, %mul3A_206 : vector<16xf32>
        %add3A_208 = arith.constant 9 : i32
        %add3A_209 = arith.addi %add3A_120, %add3A_208 : i32
        %add3A_210 = vector.broadcast %add3A_209 : i32 to vector<16xi32>
        %add3A_211 = arith.addi %mul3A_25, %add3A_210 : vector<16xi32>
        %gather3A_212 = tpu.vector_load_idx %arg7[%add3A_211] : memref<10240xi32, #tpu.memory_space<vmem>>[vector<16xi32>], vector<16xi32>,
        %gather3A_213 = tpu.vector_load_idx %arg8[%add3A_211] : memref<10240xf32, #tpu.memory_space<vmem>>[vector<16xi32>], vector<16xf32>,
        %gather3A_214 = tpu.vector_load_idx %arg6[%gather3A_212] : memref<100000xf32, #tpu.memory_space<vmem>>[vector<16xi32>], vector<16xf32>,
        %mul3A_215 = arith.mulf %gather3A_214, %gather3A_213 : vector<16xf32>
        %add3A_216 = arith.addf %add3A_180, %mul3A_215 : vector<16xf32>
        %add3A_217 = arith.constant 10 : i32
        %add3A_218 = arith.addi %add3A_120, %add3A_217 : i32
        %add3A_219 = vector.broadcast %add3A_218 : i32 to vector<16xi32>
        %add3A_220 = arith.addi %mul3A_25, %add3A_219 : vector<16xi32>
        %gather3A_221 = tpu.vector_load_idx %arg7[%add3A_220] : memref<10240xi32, #tpu.memory_space<vmem>>[vector<16xi32>], vector<16xi32>,
        %gather3A_222 = tpu.vector_load_idx %arg8[%add3A_220] : memref<10240xf32, #tpu.memory_space<vmem>>[vector<16xi32>], vector<16xf32>,
        %gather3A_223 = tpu.vector_load_idx %arg6[%gather3A_221] : memref<100000xf32, #tpu.memory_space<vmem>>[vector<16xi32>], vector<16xf32>,
        %mul3A_224 = arith.mulf %gather3A_223, %gather3A_222 : vector<16xf32>
        %add3A_225 = arith.addf %add3A_189, %mul3A_224 : vector<16xf32>
        %add3A_226 = arith.constant 11 : i32
        %add3A_227 = arith.addi %add3A_120, %add3A_226 : i32
        %add3A_228 = vector.broadcast %add3A_227 : i32 to vector<16xi32>
        %add3A_229 = arith.addi %mul3A_25, %add3A_228 : vector<16xi32>
        %gather3A_230 = tpu.vector_load_idx %arg7[%add3A_229] : memref<10240xi32, #tpu.memory_space<vmem>>[vector<16xi32>], vector<16xi32>,
        %gather3A_231 = tpu.vector_load_idx %arg8[%add3A_229] : memref<10240xf32, #tpu.memory_space<vmem>>[vector<16xi32>], vector<16xf32>,
        %gather3A_232 = tpu.vector_load_idx %arg6[%gather3A_230] : memref<100000xf32, #tpu.memory_space<vmem>>[vector<16xi32>], vector<16xf32>,
        %mul3A_233 = arith.mulf %gather3A_232, %gather3A_231 : vector<16xf32>
        %add3A_234 = arith.addf %add3A_198, %mul3A_233 : vector<16xf32>
        %add3A_235 = arith.constant 12 : i32
        %add3A_236 = arith.addi %add3A_120, %add3A_235 : i32
        %add3A_237 = vector.broadcast %add3A_236 : i32 to vector<16xi32>
        %add3A_238 = arith.addi %mul3A_25, %add3A_237 : vector<16xi32>
        %gather3A_239 = tpu.vector_load_idx %arg7[%add3A_238] : memref<10240xi32, #tpu.memory_space<vmem>>[vector<16xi32>], vector<16xi32>,
        %gather3A_240 = tpu.vector_load_idx %arg8[%add3A_238] : memref<10240xf32, #tpu.memory_space<vmem>>[vector<16xi32>], vector<16xf32>,
        %gather3A_241 = tpu.vector_load_idx %arg6[%gather3A_239] : memref<100000xf32, #tpu.memory_space<vmem>>[vector<16xi32>], vector<16xf32>,
        %mul3A_242 = arith.mulf %gather3A_241, %gather3A_240 : vector<16xf32>
        %add3A_243 = arith.addf %add3A_207, %mul3A_242 : vector<16xf32>
        %add3A_244 = arith.constant 13 : i32
        %add3A_245 = arith.addi %add3A_120, %add3A_244 : i32
        %add3A_246 = vector.broadcast %add3A_245 : i32 to vector<16xi32>
        %add3A_247 = arith.addi %mul3A_25, %add3A_246 : vector<16xi32>
        %gather3A_248 = tpu.vector_load_idx %arg7[%add3A_247] : memref<10240xi32, #tpu.memory_space<vmem>>[vector<16xi32>], vector<16xi32>,
        %gather3A_249 = tpu.vector_load_idx %arg8[%add3A_247] : memref<10240xf32, #tpu.memory_space<vmem>>[vector<16xi32>], vector<16xf32>,
        %gather3A_250 = tpu.vector_load_idx %arg6[%gather3A_248] : memref<100000xf32, #tpu.memory_space<vmem>>[vector<16xi32>], vector<16xf32>,
        %mul3A_251 = arith.mulf %gather3A_250, %gather3A_249 : vector<16xf32>
        %add3A_252 = arith.addf %add3A_216, %mul3A_251 : vector<16xf32>
        %add3A_253 = arith.constant 14 : i32
        %add3A_254 = arith.addi %add3A_120, %add3A_253 : i32
        %add3A_255 = vector.broadcast %add3A_254 : i32 to vector<16xi32>
        %add3A_256 = arith.addi %mul3A_25, %add3A_255 : vector<16xi32>
        %gather3A_257 = tpu.vector_load_idx %arg7[%add3A_256] : memref<10240xi32, #tpu.memory_space<vmem>>[vector<16xi32>], vector<16xi32>,
        %gather3A_258 = tpu.vector_load_idx %arg8[%add3A_256] : memref<10240xf32, #tpu.memory_space<vmem>>[vector<16xi32>], vector<16xf32>,
        %gather3A_259 = tpu.vector_load_idx %arg6[%gather3A_257] : memref<100000xf32, #tpu.memory_space<vmem>>[vector<16xi32>], vector<16xf32>,
        %mul3A_260 = arith.mulf %gather3A_259, %gather3A_258 : vector<16xf32>
        %add3A_261 = arith.addf %add3A_225, %mul3A_260 : vector<16xf32>
        %add3A_262 = arith.constant 15 : i32
        %add3A_263 = arith.addi %add3A_120, %add3A_262 : i32
        %add3A_264 = vector.broadcast %add3A_263 : i32 to vector<16xi32>
        %add3A_265 = arith.addi %mul3A_25, %add3A_264 : vector<16xi32>
        %gather3A_266 = tpu.vector_load_idx %arg7[%add3A_265] : memref<10240xi32, #tpu.memory_space<vmem>>[vector<16xi32>], vector<16xi32>,
        %gather3A_267 = tpu.vector_load_idx %arg8[%add3A_265] : memref<10240xf32, #tpu.memory_space<vmem>>[vector<16xi32>], vector<16xf32>,
        %gather3A_268 = tpu.vector_load_idx %arg6[%gather3A_266] : memref<100000xf32, #tpu.memory_space<vmem>>[vector<16xi32>], vector<16xf32>,
        %mul3A_269 = arith.mulf %gather3A_268, %gather3A_267 : vector<16xf32>
        %add3A_270 = arith.addf %add3A_234, %mul3A_269 : vector<16xf32>
        %add3A_271 = arith.constant 16 : i32
        %add3A_272 = arith.addi %add3A_120, %add3A_271 : i32
        %add3A_273 = vector.broadcast %add3A_272 : i32 to vector<16xi32>
        %add3A_274 = arith.addi %mul3A_25, %add3A_273 : vector<16xi32>
        %gather3A_275 = tpu.vector_load_idx %arg7[%add3A_274] : memref<10240xi32, #tpu.memory_space<vmem>>[vector<16xi32>], vector<16xi32>,
        %gather3A_276 = tpu.vector_load_idx %arg8[%add3A_274] : memref<10240xf32, #tpu.memory_space<vmem>>[vector<16xi32>], vector<16xf32>,
        %gather3A_277 = tpu.vector_load_idx %arg6[%gather3A_275] : memref<100000xf32, #tpu.memory_space<vmem>>[vector<16xi32>], vector<16xf32>,
        %mul3A_278 = arith.mulf %gather3A_277, %gather3A_276 : vector<16xf32>
        %add3A_279 = arith.addf %add3A_243, %mul3A_278 : vector<16xf32>
        %add3A_280 = arith.constant 17 : i32
        %add3A_281 = arith.addi %add3A_120, %add3A_280 : i32
        %add3A_282 = vector.broadcast %add3A_281 : i32 to vector<16xi32>
        %add3A_283 = arith.addi %mul3A_25, %add3A_282 : vector<16xi32>
        %gather3A_284 = tpu.vector_load_idx %arg7[%add3A_283] : memref<10240xi32, #tpu.memory_space<vmem>>[vector<16xi32>], vector<16xi32>,
        %gather3A_285 = tpu.vector_load_idx %arg8[%add3A_283] : memref<10240xf32, #tpu.memory_space<vmem>>[vector<16xi32>], vector<16xf32>,
        %gather3A_286 = tpu.vector_load_idx %arg6[%gather3A_284] : memref<100000xf32, #tpu.memory_space<vmem>>[vector<16xi32>], vector<16xf32>,
        %mul3A_287 = arith.mulf %gather3A_286, %gather3A_285 : vector<16xf32>
        %add3A_288 = arith.addf %add3A_252, %mul3A_287 : vector<16xf32>
        %add3A_289 = arith.constant 18 : i32
        %add3A_290 = arith.addi %add3A_120, %add3A_289 : i32
        %add3A_291 = vector.broadcast %add3A_290 : i32 to vector<16xi32>
        %add3A_292 = arith.addi %mul3A_25, %add3A_291 : vector<16xi32>
        %gather3A_293 = tpu.vector_load_idx %arg7[%add3A_292] : memref<10240xi32, #tpu.memory_space<vmem>>[vector<16xi32>], vector<16xi32>,
        %gather3A_294 = tpu.vector_load_idx %arg8[%add3A_292] : memref<10240xf32, #tpu.memory_space<vmem>>[vector<16xi32>], vector<16xf32>,
        %gather3A_295 = tpu.vector_load_idx %arg6[%gather3A_293] : memref<100000xf32, #tpu.memory_space<vmem>>[vector<16xi32>], vector<16xf32>,
        %mul3A_296 = arith.mulf %gather3A_295, %gather3A_294 : vector<16xf32>
        %add3A_297 = arith.addf %add3A_261, %mul3A_296 : vector<16xf32>
        %add3A_298 = arith.constant 19 : i32
        %add3A_299 = arith.addi %add3A_120, %add3A_298 : i32
        %add3A_300 = vector.broadcast %add3A_299 : i32 to vector<16xi32>
        %add3A_301 = arith.addi %mul3A_25, %add3A_300 : vector<16xi32>
        %gather3A_302 = tpu.vector_load_idx %arg7[%add3A_301] : memref<10240xi32, #tpu.memory_space<vmem>>[vector<16xi32>], vector<16xi32>,
        %gather3A_303 = tpu.vector_load_idx %arg8[%add3A_301] : memref<10240xf32, #tpu.memory_space<vmem>>[vector<16xi32>], vector<16xf32>,
        %gather3A_304 = tpu.vector_load_idx %arg6[%gather3A_302] : memref<100000xf32, #tpu.memory_space<vmem>>[vector<16xi32>], vector<16xf32>,
        %mul3A_305 = arith.mulf %gather3A_304, %gather3A_303 : vector<16xf32>
        %add3A_306 = arith.addf %add3A_270, %mul3A_305 : vector<16xf32>
        %add3A_307 = arith.constant 20 : i32
        %add3A_308 = arith.addi %add3A_120, %add3A_307 : i32
        %add3A_309 = vector.broadcast %add3A_308 : i32 to vector<16xi32>
        %add3A_310 = arith.addi %mul3A_25, %add3A_309 : vector<16xi32>
        %gather3A_311 = tpu.vector_load_idx %arg7[%add3A_310] : memref<10240xi32, #tpu.memory_space<vmem>>[vector<16xi32>], vector<16xi32>,
        %gather3A_312 = tpu.vector_load_idx %arg8[%add3A_310] : memref<10240xf32, #tpu.memory_space<vmem>>[vector<16xi32>], vector<16xf32>,
        %gather3A_313 = tpu.vector_load_idx %arg6[%gather3A_311] : memref<100000xf32, #tpu.memory_space<vmem>>[vector<16xi32>], vector<16xf32>,
        %mul3A_314 = arith.mulf %gather3A_313, %gather3A_312 : vector<16xf32>
        %add3A_315 = arith.addf %add3A_279, %mul3A_314 : vector<16xf32>
        %add3A_316 = arith.constant 21 : i32
        %add3A_317 = arith.addi %add3A_120, %add3A_316 : i32
        %add3A_318 = vector.broadcast %add3A_317 : i32 to vector<16xi32>
        %add3A_319 = arith.addi %mul3A_25, %add3A_318 : vector<16xi32>
        %gather3A_320 = tpu.vector_load_idx %arg7[%add3A_319] : memref<10240xi32, #tpu.memory_space<vmem>>[vector<16xi32>], vector<16xi32>,
        %gather3A_321 = tpu.vector_load_idx %arg8[%add3A_319] : memref<10240xf32, #tpu.memory_space<vmem>>[vector<16xi32>], vector<16xf32>,
        %gather3A_322 = tpu.vector_load_idx %arg6[%gather3A_320] : memref<100000xf32, #tpu.memory_space<vmem>>[vector<16xi32>], vector<16xf32>,
        %mul3A_323 = arith.mulf %gather3A_322, %gather3A_321 : vector<16xf32>
        %add3A_324 = arith.addf %add3A_288, %mul3A_323 : vector<16xf32>
        %add3A_325 = arith.constant 22 : i32
        %add3A_326 = arith.addi %add3A_120, %add3A_325 : i32
        %add3A_327 = vector.broadcast %add3A_326 : i32 to vector<16xi32>
        %add3A_328 = arith.addi %mul3A_25, %add3A_327 : vector<16xi32>
        %gather3A_329 = tpu.vector_load_idx %arg7[%add3A_328] : memref<10240xi32, #tpu.memory_space<vmem>>[vector<16xi32>], vector<16xi32>,
        %gather3A_330 = tpu.vector_load_idx %arg8[%add3A_328] : memref<10240xf32, #tpu.memory_space<vmem>>[vector<16xi32>], vector<16xf32>,
        %gather3A_331 = tpu.vector_load_idx %arg6[%gather3A_329] : memref<100000xf32, #tpu.memory_space<vmem>>[vector<16xi32>], vector<16xf32>,
        %mul3A_332 = arith.mulf %gather3A_331, %gather3A_330 : vector<16xf32>
        %add3A_333 = arith.addf %add3A_297, %mul3A_332 : vector<16xf32>
        %add3A_334 = arith.constant 23 : i32
        %add3A_335 = arith.addi %add3A_120, %add3A_334 : i32
        %add3A_336 = vector.broadcast %add3A_335 : i32 to vector<16xi32>
        %add3A_337 = arith.addi %mul3A_25, %add3A_336 : vector<16xi32>
        %gather3A_338 = tpu.vector_load_idx %arg7[%add3A_337] : memref<10240xi32, #tpu.memory_space<vmem>>[vector<16xi32>], vector<16xi32>,
        %gather3A_339 = tpu.vector_load_idx %arg8[%add3A_337] : memref<10240xf32, #tpu.memory_space<vmem>>[vector<16xi32>], vector<16xf32>,
        %gather3A_340 = tpu.vector_load_idx %arg6[%gather3A_338] : memref<100000xf32, #tpu.memory_space<vmem>>[vector<16xi32>], vector<16xf32>,
        %mul3A_341 = arith.mulf %gather3A_340, %gather3A_339 : vector<16xf32>
        %add3A_342 = arith.addf %add3A_306, %mul3A_341 : vector<16xf32>
        %add3A_343 = arith.constant 24 : i32
        %add3A_344 = arith.addi %add3A_120, %add3A_343 : i32
        %add3A_345 = vector.broadcast %add3A_344 : i32 to vector<16xi32>
        %add3A_346 = arith.addi %mul3A_25, %add3A_345 : vector<16xi32>
        %gather3A_347 = tpu.vector_load_idx %arg7[%add3A_346] : memref<10240xi32, #tpu.memory_space<vmem>>[vector<16xi32>], vector<16xi32>,
        %gather3A_348 = tpu.vector_load_idx %arg8[%add3A_346] : memref<10240xf32, #tpu.memory_space<vmem>>[vector<16xi32>], vector<16xf32>,
        %gather3A_349 = tpu.vector_load_idx %arg6[%gather3A_347] : memref<100000xf32, #tpu.memory_space<vmem>>[vector<16xi32>], vector<16xf32>,
        %mul3A_350 = arith.mulf %gather3A_349, %gather3A_348 : vector<16xf32>
        %add3A_351 = arith.addf %add3A_315, %mul3A_350 : vector<16xf32>
        %add3A_352 = arith.constant 25 : i32
        %add3A_353 = arith.addi %add3A_120, %add3A_352 : i32
        %add3A_354 = vector.broadcast %add3A_353 : i32 to vector<16xi32>
        %add3A_355 = arith.addi %mul3A_25, %add3A_354 : vector<16xi32>
        %gather3A_356 = tpu.vector_load_idx %arg7[%add3A_355] : memref<10240xi32, #tpu.memory_space<vmem>>[vector<16xi32>], vector<16xi32>,
        %gather3A_357 = tpu.vector_load_idx %arg8[%add3A_355] : memref<10240xf32, #tpu.memory_space<vmem>>[vector<16xi32>], vector<16xf32>,
        %gather3A_358 = tpu.vector_load_idx %arg6[%gather3A_356] : memref<100000xf32, #tpu.memory_space<vmem>>[vector<16xi32>], vector<16xf32>,
        %mul3A_359 = arith.mulf %gather3A_358, %gather3A_357 : vector<16xf32>
        %add3A_360 = arith.addf %add3A_324, %mul3A_359 : vector<16xf32>
        %add3A_361 = arith.constant 26 : i32
        %add3A_362 = arith.addi %add3A_120, %add3A_361 : i32
        %add3A_363 = vector.broadcast %add3A_362 : i32 to vector<16xi32>
        %add3A_364 = arith.addi %mul3A_25, %add3A_363 : vector<16xi32>
        %gather3A_365 = tpu.vector_load_idx %arg7[%add3A_364] : memref<10240xi32, #tpu.memory_space<vmem>>[vector<16xi32>], vector<16xi32>,
        %gather3A_366 = tpu.vector_load_idx %arg8[%add3A_364] : memref<10240xf32, #tpu.memory_space<vmem>>[vector<16xi32>], vector<16xf32>,
        %gather3A_367 = tpu.vector_load_idx %arg6[%gather3A_365] : memref<100000xf32, #tpu.memory_space<vmem>>[vector<16xi32>], vector<16xf32>,
        %mul3A_368 = arith.mulf %gather3A_367, %gather3A_366 : vector<16xf32>
        %add3A_369 = arith.addf %add3A_333, %mul3A_368 : vector<16xf32>
        %add3A_370 = arith.constant 27 : i32
        %add3A_371 = arith.addi %add3A_120, %add3A_370 : i32
        %add3A_372 = vector.broadcast %add3A_371 : i32 to vector<16xi32>
        %add3A_373 = arith.addi %mul3A_25, %add3A_372 : vector<16xi32>
        %gather3A_374 = tpu.vector_load_idx %arg7[%add3A_373] : memref<10240xi32, #tpu.memory_space<vmem>>[vector<16xi32>], vector<16xi32>,
        %gather3A_375 = tpu.vector_load_idx %arg8[%add3A_373] : memref<10240xf32, #tpu.memory_space<vmem>>[vector<16xi32>], vector<16xf32>,
        %gather3A_376 = tpu.vector_load_idx %arg6[%gather3A_374] : memref<100000xf32, #tpu.memory_space<vmem>>[vector<16xi32>], vector<16xf32>,
        %mul3A_377 = arith.mulf %gather3A_376, %gather3A_375 : vector<16xf32>
        %add3A_378 = arith.addf %add3A_342, %mul3A_377 : vector<16xf32>
        %add3A_379 = arith.constant 28 : i32
        %add3A_380 = arith.addi %add3A_120, %add3A_379 : i32
        %add3A_381 = vector.broadcast %add3A_380 : i32 to vector<16xi32>
        %add3A_382 = arith.addi %mul3A_25, %add3A_381 : vector<16xi32>
        %gather3A_383 = tpu.vector_load_idx %arg7[%add3A_382] : memref<10240xi32, #tpu.memory_space<vmem>>[vector<16xi32>], vector<16xi32>,
        %gather3A_384 = tpu.vector_load_idx %arg8[%add3A_382] : memref<10240xf32, #tpu.memory_space<vmem>>[vector<16xi32>], vector<16xf32>,
        %gather3A_385 = tpu.vector_load_idx %arg6[%gather3A_383] : memref<100000xf32, #tpu.memory_space<vmem>>[vector<16xi32>], vector<16xf32>,
        %mul3A_386 = arith.mulf %gather3A_385, %gather3A_384 : vector<16xf32>
        %add3A_387 = arith.addf %add3A_351, %mul3A_386 : vector<16xf32>
        %add3A_388 = arith.constant 29 : i32
        %add3A_389 = arith.addi %add3A_120, %add3A_388 : i32
        %add3A_390 = vector.broadcast %add3A_389 : i32 to vector<16xi32>
        %add3A_391 = arith.addi %mul3A_25, %add3A_390 : vector<16xi32>
        %gather3A_392 = tpu.vector_load_idx %arg7[%add3A_391] : memref<10240xi32, #tpu.memory_space<vmem>>[vector<16xi32>], vector<16xi32>,
        %gather3A_393 = tpu.vector_load_idx %arg8[%add3A_391] : memref<10240xf32, #tpu.memory_space<vmem>>[vector<16xi32>], vector<16xf32>,
        %gather3A_394 = tpu.vector_load_idx %arg6[%gather3A_392] : memref<100000xf32, #tpu.memory_space<vmem>>[vector<16xi32>], vector<16xf32>,
        %mul3A_395 = arith.mulf %gather3A_394, %gather3A_393 : vector<16xf32>
        %add3A_396 = arith.addf %add3A_360, %mul3A_395 : vector<16xf32>
        %add3A_397 = arith.constant 30 : i32
        %add3A_398 = arith.addi %add3A_120, %add3A_397 : i32
        %add3A_399 = vector.broadcast %add3A_398 : i32 to vector<16xi32>
        %add3A_400 = arith.addi %mul3A_25, %add3A_399 : vector<16xi32>
        %gather3A_401 = tpu.vector_load_idx %arg7[%add3A_400] : memref<10240xi32, #tpu.memory_space<vmem>>[vector<16xi32>], vector<16xi32>,
        %gather3A_402 = tpu.vector_load_idx %arg8[%add3A_400] : memref<10240xf32, #tpu.memory_space<vmem>>[vector<16xi32>], vector<16xf32>,
        %gather3A_403 = tpu.vector_load_idx %arg6[%gather3A_401] : memref<100000xf32, #tpu.memory_space<vmem>>[vector<16xi32>], vector<16xf32>,
        %mul3A_404 = arith.mulf %gather3A_403, %gather3A_402 : vector<16xf32>
        %add3A_405 = arith.addf %add3A_369, %mul3A_404 : vector<16xf32>
        %add3A_406 = arith.constant 31 : i32
        %add3A_407 = arith.addi %add3A_120, %add3A_406 : i32
        %add3A_408 = vector.broadcast %add3A_407 : i32 to vector<16xi32>
        %add3A_409 = arith.addi %mul3A_25, %add3A_408 : vector<16xi32>
        %gather3A_410 = tpu.vector_load_idx %arg7[%add3A_409] : memref<10240xi32, #tpu.memory_space<vmem>>[vector<16xi32>], vector<16xi32>,
        %gather3A_411 = tpu.vector_load_idx %arg8[%add3A_409] : memref<10240xf32, #tpu.memory_space<vmem>>[vector<16xi32>], vector<16xf32>,
        %gather3A_412 = tpu.vector_load_idx %arg6[%gather3A_410] : memref<100000xf32, #tpu.memory_space<vmem>>[vector<16xi32>], vector<16xf32>,
        %mul3A_413 = arith.mulf %gather3A_412, %gather3A_411 : vector<16xf32>
        %add3A_414 = arith.addf %add3A_378, %mul3A_413 : vector<16xf32>
        %add3A_415 = arith.addf %add3A_387, %add3A_396 : vector<16xf32>
        %add3A_416 = arith.addf %add3A_405, %add3A_414 : vector<16xf32>
        %add3A_417 = arith.addf %add3A_415, %add3A_416 : vector<16xf32>
        %neg3A = arith.constant 0.000000e+00 : f32
        %neg3A_418 = vector.broadcast %neg3A : f32 to vector<16xf32>
        %neg3A_419 = arith.subf %neg3A_418, %add3A_417 : vector<16xf32>
        %exp3A = math.exp %neg3A_419 : vector<16xf32>
        %sub3A_420 = arith.constant 1.000000e+00 : f32
        %sub3A_421 = vector.broadcast %sub3A_420 : f32 to vector<16xf32>
        %sub3A_422 = arith.subf %sub3A_421, %exp3A : vector<16xf32>
        %mul3A_423 = arith.constant 16 : i32
        %mul3A_424 = arith.muli %scan3A_116, %mul3A_423 : i32
        %add3A_425 = arith.addi %mul3A_76, %mul3A_424 : i32
        %swap3A = arith.index_cast %add3A_425 : i32 to index
        %swap3A_426 = tpu.vector_load %arg9[%swap3A] {strides = array<i32>} : memref<320xf32, #tpu.memory_space<vmem>>, vector<16xf32>,
        tpu.vector_store %arg9[%swap3A], %sub3A_422 {strides = array<i32>} : memref<320xf32, #tpu.memory_space<vmem>>, vector<16xf32>,
        %scan3A_427 = arith.constant 0 : i32
        scf.yield %scan3A_427 : i32
      }
      %scan3A_108 = arith.constant 10 : i32
      %mul3A_109 = arith.constant 160 : i32
      %mul3A_110 = arith.muli %add3A_79, %mul3A_109 : i32
      %dma_start3A_111 = tpu.memref_slice %arg9[%mul3A_76] : memref<320xf32, #tpu.memory_space<vmem>> -> memref<160xf32, #tpu.memory_space<vmem>>
      %dma_start3A_112 = tpu.memref_slice %arg5[%mul3A_110] : memref<800000xf32, #tpu.memory_space<hbm>> -> memref<160xf32, #tpu.memory_space<hbm>>
      %dma_start3A_113 = tpu.memref_slice %arg5[%mul3A_110] : memref<800000xf32, #tpu.memory_space<hbm>> -> memref<160xf32, #tpu.memory_space<hbm>>
      %dma_start3A_114 = tpu.memref_slice %arg9[%mul3A_76] : memref<320xf32, #tpu.memory_space<vmem>> -> memref<160xf32, #tpu.memory_space<vmem>>
      tpu.enqueue_dma source(%dma_start3A_114 : memref<160xf32, #tpu.memory_space<vmem>>) target(%dma_start3A_113 : memref<160xf32, #tpu.memory_space<hbm>>) target_semaphore(%arg11 : memref<!tpu.dma_semaphore, #tpu.memory_space<semaphore_mem>>)
      %while3A_115 = arith.constant 0 : i32
      scf.yield %while3A_115 : i32
    }
    %while3A_50 = arith.constant 1 : i32
    %while3A_51 = scf.for %while3A_67 = %while3A_47 to %while3A_43 step %while3A_50 iter_args(%while3A_68 = %while3A_49) -> (i32)  : i32 {
      %rem3A_69 = arith.constant 2 : i32
      %rem3A_70 = arith.remsi %while3A_67, %rem3A_69 : i32
      %mul3A_71 = arith.constant 5120 : i32
      %mul3A_72 = arith.muli %rem3A_70, %mul3A_71 : i32
      %rem3A_73 = arith.constant 2 : i32
      %rem3A_74 = arith.remsi %while3A_67, %rem3A_73 : i32
      %mul3A_75 = arith.constant 160 : i32
      %mul3A_76 = arith.muli %rem3A_74, %mul3A_75 : i32
      %mul3A_77 = arith.constant 32 : i32
      %mul3A_78 = arith.muli %while3A_67, %mul3A_77 : i32
      %add3A_79 = arith.addi %add3A, %mul3A_78 : i32
      %add3A_80 = arith.constant 1 : i32
      %add3A_81 = arith.addi %while3A_67, %add3A_80 : i32
      %lt3A = arith.cmpi slt, %add3A_81, %select_n3A : i32
      %convert_element_type3A = arith.extui %lt3A : i1 to i32
      %cond3A = arith.constant 0 : i32
      %cond3A_82 = arith.cmpi ne, %convert_element_type3A, %cond3A : i32
      scf.if %cond3A_82 {
        %add3A_116 = arith.constant 32 : i32
        %add3A_117 = arith.addi %add3A_79, %add3A_116 : i32
        %sub3A_118 = arith.constant 5120 : i32
        %sub3A_119 = arith.subi %sub3A_118, %mul3A_72 : i32
        %mul3A_120 = arith.constant 5120 : i32
        %mul3A_121 = arith.muli %add3A_117, %mul3A_120 : i32
        %dma_start3A_122 = tpu.memref_slice %arg7[%sub3A_119] : memref<10240xi32, #tpu.memory_space<vmem>> -> memref<5120xi32, #tpu.memory_space<vmem>>
        %dma_start3A_123 = tpu.memref_slice %arg4[%mul3A_121] : memref<25600000xi32, #tpu.memory_space<hbm>> -> memref<5120xi32, #tpu.memory_space<hbm>>
        %dma_start3A_124 = tpu.memref_slice %arg7[%sub3A_119] : memref<10240xi32, #tpu.memory_space<vmem>> -> memref<5120xi32, #tpu.memory_space<vmem>>
        %dma_start3A_125 = tpu.memref_slice %arg4[%mul3A_121] : memref<25600000xi32, #tpu.memory_space<hbm>> -> memref<5120xi32, #tpu.memory_space<hbm>>
        tpu.enqueue_dma source(%dma_start3A_125 : memref<5120xi32, #tpu.memory_space<hbm>>) target(%dma_start3A_124 : memref<5120xi32, #tpu.memory_space<vmem>>) target_semaphore(%arg10 : memref<!tpu.dma_semaphore, #tpu.memory_space<semaphore_mem>>)
        %mul3A_126 = arith.constant 5120 : i32
        %mul3A_127 = arith.muli %add3A_117, %mul3A_126 : i32
        %dma_start3A_128 = tpu.memref_slice %arg8[%sub3A_119] : memref<10240xf32, #tpu.memory_space<vmem>> -> memref<5120xf32, #tpu.memory_space<vmem>>
        %dma_start3A_129 = tpu.memref_slice %arg3[%mul3A_127] : memref<25600000xf32, #tpu.memory_space<hbm>> -> memref<5120xf32, #tpu.memory_space<hbm>>
        %dma_start3A_130 = tpu.memref_slice %arg8[%sub3A_119] : memref<10240xf32, #tpu.memory_space<vmem>> -> memref<5120xf32, #tpu.memory_space<vmem>>
        %dma_start3A_131 = tpu.memref_slice %arg3[%mul3A_127] : memref<25600000xf32, #tpu.memory_space<hbm>> -> memref<5120xf32, #tpu.memory_space<hbm>>
        tpu.enqueue_dma source(%dma_start3A_131 : memref<5120xf32, #tpu.memory_space<hbm>>) target(%dma_start3A_130 : memref<5120xf32, #tpu.memory_space<vmem>>) target_semaphore(%arg10 : memref<!tpu.dma_semaphore, #tpu.memory_space<semaphore_mem>>)
      } else {
      }
      %dma_wait3A_83 = arith.constant 0 : i32
      %dma_wait3A_84 = tpu.memref_slice %arg7[%dma_wait3A_83] : memref<10240xi32, #tpu.memory_space<vmem>> -> memref<5120xi32, #tpu.memory_space<vmem>>
      %dma_wait3A_85 = arith.constant 0 : i32
      %dma_wait3A_86 = tpu.memref_slice %arg4[%dma_wait3A_85] : memref<25600000xi32, #tpu.memory_space<hbm>> -> memref<5120xi32, #tpu.memory_space<hbm>>
      %dma_wait3A_87 = arith.constant 0 : i32
      %dma_wait3A_88 = tpu.memref_slice %arg7[%dma_wait3A_87] : memref<10240xi32, #tpu.memory_space<vmem>> -> memref<5120xi32, #tpu.memory_space<vmem>>
      %dma_wait3A_89 = arith.constant 0 : i32
      %dma_wait3A_90 = tpu.memref_slice %arg4[%dma_wait3A_89] : memref<25600000xi32, #tpu.memory_space<hbm>> -> memref<5120xi32, #tpu.memory_space<hbm>>
      tpu.wait_dma2 semaphore(%arg10 : memref<!tpu.dma_semaphore, #tpu.memory_space<semaphore_mem>>) src(%dma_wait3A_90 : memref<5120xi32, #tpu.memory_space<hbm>>) dst(%dma_wait3A_88 : memref<5120xi32, #tpu.memory_space<vmem>>)
      %dma_wait3A_91 = arith.constant 0 : i32
      %dma_wait3A_92 = tpu.memref_slice %arg8[%dma_wait3A_91] : memref<10240xf32, #tpu.memory_space<vmem>> -> memref<5120xf32, #tpu.memory_space<vmem>>
      %dma_wait3A_93 = arith.constant 0 : i32
      %dma_wait3A_94 = tpu.memref_slice %arg3[%dma_wait3A_93] : memref<25600000xf32, #tpu.memory_space<hbm>> -> memref<5120xf32, #tpu.memory_space<hbm>>
      %dma_wait3A_95 = arith.constant 0 : i32
      %dma_wait3A_96 = tpu.memref_slice %arg8[%dma_wait3A_95] : memref<10240xf32, #tpu.memory_space<vmem>> -> memref<5120xf32, #tpu.memory_space<vmem>>
      %dma_wait3A_97 = arith.constant 0 : i32
      %dma_wait3A_98 = tpu.memref_slice %arg3[%dma_wait3A_97] : memref<25600000xf32, #tpu.memory_space<hbm>> -> memref<5120xf32, #tpu.memory_space<hbm>>
      tpu.wait_dma2 semaphore(%arg10 : memref<!tpu.dma_semaphore, #tpu.memory_space<semaphore_mem>>) src(%dma_wait3A_98 : memref<5120xf32, #tpu.memory_space<hbm>>) dst(%dma_wait3A_96 : memref<5120xf32, #tpu.memory_space<vmem>>)
      %ge3A = arith.constant 2 : i32
      %ge3A_99 = arith.cmpi sge, %while3A_67, %ge3A : i32
      %convert_element_type3A_100 = arith.extui %ge3A_99 : i1 to i32
      %cond3A_101 = arith.constant 0 : i32
      %cond3A_102 = arith.cmpi ne, %convert_element_type3A_100, %cond3A_101 : i32
      scf.if %cond3A_102 {
        %dma_wait3A_116 = arith.constant 0 : i32
        %dma_wait3A_117 = tpu.memref_slice %arg9[%dma_wait3A_116] : memref<320xf32, #tpu.memory_space<vmem>> -> memref<160xf32, #tpu.memory_space<vmem>>
        %dma_wait3A_118 = arith.constant 0 : i32
        %dma_wait3A_119 = tpu.memref_slice %arg5[%dma_wait3A_118] : memref<800000xf32, #tpu.memory_space<hbm>> -> memref<160xf32, #tpu.memory_space<hbm>>
        %dma_wait3A_120 = arith.constant 0 : i32
        %dma_wait3A_121 = tpu.memref_slice %arg5[%dma_wait3A_120] : memref<800000xf32, #tpu.memory_space<hbm>> -> memref<160xf32, #tpu.memory_space<hbm>>
        %dma_wait3A_122 = arith.constant 0 : i32
        %dma_wait3A_123 = tpu.memref_slice %arg9[%dma_wait3A_122] : memref<320xf32, #tpu.memory_space<vmem>> -> memref<160xf32, #tpu.memory_space<vmem>>
        tpu.wait_dma2 semaphore(%arg11 : memref<!tpu.dma_semaphore, #tpu.memory_space<semaphore_mem>>) src(%dma_wait3A_123 : memref<160xf32, #tpu.memory_space<vmem>>) dst(%dma_wait3A_121 : memref<160xf32, #tpu.memory_space<hbm>>)
      } else {
      }
      %scan3A = arith.constant 0 : i32
      %scan3A_103 = arith.constant 0 : i32
      %scan3A_104 = arith.constant 10 : i32
      %scan3A_105 = arith.addi %scan3A_103, %scan3A_104 : i32
      %scan3A_106 = arith.constant 1 : i32
      %scan3A_107 = scf.for %scan3A_116 = %scan3A_103 to %scan3A_105 step %scan3A_106 iter_args(%scan3A_117 = %scan3A) -> (i32)  : i32 {
        %mul3A_118 = arith.constant 512 : i32
        %mul3A_119 = arith.muli %scan3A_116, %mul3A_118 : i32
        %add3A_120 = arith.addi %mul3A_72, %mul3A_119 : i32
        %broadcast_in_dim3A = arith.constant 0.000000e+00 : f32
        %broadcast_in_dim3A_121 = vector.broadcast %broadcast_in_dim3A : f32 to vector<16xf32>
        %broadcast_in_dim3A_122 = arith.constant 0.000000e+00 : f32
        %broadcast_in_dim3A_123 = vector.broadcast %broadcast_in_dim3A_122 : f32 to vector<16xf32>
        %broadcast_in_dim3A_124 = arith.constant 0.000000e+00 : f32
        %broadcast_in_dim3A_125 = vector.broadcast %broadcast_in_dim3A_124 : f32 to vector<16xf32>
        %broadcast_in_dim3A_126 = arith.constant 0.000000e+00 : f32
        %broadcast_in_dim3A_127 = vector.broadcast %broadcast_in_dim3A_126 : f32 to vector<16xf32>
        %add3A_128 = arith.constant 0 : i32
        %add3A_129 = arith.addi %add3A_120, %add3A_128 : i32
        %add3A_130 = vector.broadcast %add3A_129 : i32 to vector<16xi32>
        %add3A_131 = arith.addi %mul3A_25, %add3A_130 : vector<16xi32>
        %gather3A = tpu.vector_load_idx %arg7[%add3A_131] : memref<10240xi32, #tpu.memory_space<vmem>>[vector<16xi32>], vector<16xi32>,
        %gather3A_132 = tpu.vector_load_idx %arg8[%add3A_131] : memref<10240xf32, #tpu.memory_space<vmem>>[vector<16xi32>], vector<16xf32>,
        %gather3A_133 = tpu.vector_load_idx %arg6[%gather3A] : memref<100000xf32, #tpu.memory_space<vmem>>[vector<16xi32>], vector<16xf32>,
        %mul3A_134 = arith.mulf %gather3A_133, %gather3A_132 : vector<16xf32>
        %add3A_135 = arith.addf %broadcast_in_dim3A_121, %mul3A_134 : vector<16xf32>
        %add3A_136 = arith.constant 1 : i32
        %add3A_137 = arith.addi %add3A_120, %add3A_136 : i32
        %add3A_138 = vector.broadcast %add3A_137 : i32 to vector<16xi32>
        %add3A_139 = arith.addi %mul3A_25, %add3A_138 : vector<16xi32>
        %gather3A_140 = tpu.vector_load_idx %arg7[%add3A_139] : memref<10240xi32, #tpu.memory_space<vmem>>[vector<16xi32>], vector<16xi32>,
        %gather3A_141 = tpu.vector_load_idx %arg8[%add3A_139] : memref<10240xf32, #tpu.memory_space<vmem>>[vector<16xi32>], vector<16xf32>,
        %gather3A_142 = tpu.vector_load_idx %arg6[%gather3A_140] : memref<100000xf32, #tpu.memory_space<vmem>>[vector<16xi32>], vector<16xf32>,
        %mul3A_143 = arith.mulf %gather3A_142, %gather3A_141 : vector<16xf32>
        %add3A_144 = arith.addf %broadcast_in_dim3A_123, %mul3A_143 : vector<16xf32>
        %add3A_145 = arith.constant 2 : i32
        %add3A_146 = arith.addi %add3A_120, %add3A_145 : i32
        %add3A_147 = vector.broadcast %add3A_146 : i32 to vector<16xi32>
        %add3A_148 = arith.addi %mul3A_25, %add3A_147 : vector<16xi32>
        %gather3A_149 = tpu.vector_load_idx %arg7[%add3A_148] : memref<10240xi32, #tpu.memory_space<vmem>>[vector<16xi32>], vector<16xi32>,
        %gather3A_150 = tpu.vector_load_idx %arg8[%add3A_148] : memref<10240xf32, #tpu.memory_space<vmem>>[vector<16xi32>], vector<16xf32>,
        %gather3A_151 = tpu.vector_load_idx %arg6[%gather3A_149] : memref<100000xf32, #tpu.memory_space<vmem>>[vector<16xi32>], vector<16xf32>,
        %mul3A_152 = arith.mulf %gather3A_151, %gather3A_150 : vector<16xf32>
        %add3A_153 = arith.addf %broadcast_in_dim3A_125, %mul3A_152 : vector<16xf32>
        %add3A_154 = arith.constant 3 : i32
        %add3A_155 = arith.addi %add3A_120, %add3A_154 : i32
        %add3A_156 = vector.broadcast %add3A_155 : i32 to vector<16xi32>
        %add3A_157 = arith.addi %mul3A_25, %add3A_156 : vector<16xi32>
        %gather3A_158 = tpu.vector_load_idx %arg7[%add3A_157] : memref<10240xi32, #tpu.memory_space<vmem>>[vector<16xi32>], vector<16xi32>,
        %gather3A_159 = tpu.vector_load_idx %arg8[%add3A_157] : memref<10240xf32, #tpu.memory_space<vmem>>[vector<16xi32>], vector<16xf32>,
        %gather3A_160 = tpu.vector_load_idx %arg6[%gather3A_158] : memref<100000xf32, #tpu.memory_space<vmem>>[vector<16xi32>], vector<16xf32>,
        %mul3A_161 = arith.mulf %gather3A_160, %gather3A_159 : vector<16xf32>
        %add3A_162 = arith.addf %broadcast_in_dim3A_127, %mul3A_161 : vector<16xf32>
        %add3A_163 = arith.constant 4 : i32
        %add3A_164 = arith.addi %add3A_120, %add3A_163 : i32
        %add3A_165 = vector.broadcast %add3A_164 : i32 to vector<16xi32>
        %add3A_166 = arith.addi %mul3A_25, %add3A_165 : vector<16xi32>
        %gather3A_167 = tpu.vector_load_idx %arg7[%add3A_166] : memref<10240xi32, #tpu.memory_space<vmem>>[vector<16xi32>], vector<16xi32>,
        %gather3A_168 = tpu.vector_load_idx %arg8[%add3A_166] : memref<10240xf32, #tpu.memory_space<vmem>>[vector<16xi32>], vector<16xf32>,
        %gather3A_169 = tpu.vector_load_idx %arg6[%gather3A_167] : memref<100000xf32, #tpu.memory_space<vmem>>[vector<16xi32>], vector<16xf32>,
        %mul3A_170 = arith.mulf %gather3A_169, %gather3A_168 : vector<16xf32>
        %add3A_171 = arith.addf %add3A_135, %mul3A_170 : vector<16xf32>
        %add3A_172 = arith.constant 5 : i32
        %add3A_173 = arith.addi %add3A_120, %add3A_172 : i32
        %add3A_174 = vector.broadcast %add3A_173 : i32 to vector<16xi32>
        %add3A_175 = arith.addi %mul3A_25, %add3A_174 : vector<16xi32>
        %gather3A_176 = tpu.vector_load_idx %arg7[%add3A_175] : memref<10240xi32, #tpu.memory_space<vmem>>[vector<16xi32>], vector<16xi32>,
        %gather3A_177 = tpu.vector_load_idx %arg8[%add3A_175] : memref<10240xf32, #tpu.memory_space<vmem>>[vector<16xi32>], vector<16xf32>,
        %gather3A_178 = tpu.vector_load_idx %arg6[%gather3A_176] : memref<100000xf32, #tpu.memory_space<vmem>>[vector<16xi32>], vector<16xf32>,
        %mul3A_179 = arith.mulf %gather3A_178, %gather3A_177 : vector<16xf32>
        %add3A_180 = arith.addf %add3A_144, %mul3A_179 : vector<16xf32>
        %add3A_181 = arith.constant 6 : i32
        %add3A_182 = arith.addi %add3A_120, %add3A_181 : i32
        %add3A_183 = vector.broadcast %add3A_182 : i32 to vector<16xi32>
        %add3A_184 = arith.addi %mul3A_25, %add3A_183 : vector<16xi32>
        %gather3A_185 = tpu.vector_load_idx %arg7[%add3A_184] : memref<10240xi32, #tpu.memory_space<vmem>>[vector<16xi32>], vector<16xi32>,
        %gather3A_186 = tpu.vector_load_idx %arg8[%add3A_184] : memref<10240xf32, #tpu.memory_space<vmem>>[vector<16xi32>], vector<16xf32>,
        %gather3A_187 = tpu.vector_load_idx %arg6[%gather3A_185] : memref<100000xf32, #tpu.memory_space<vmem>>[vector<16xi32>], vector<16xf32>,
        %mul3A_188 = arith.mulf %gather3A_187, %gather3A_186 : vector<16xf32>
        %add3A_189 = arith.addf %add3A_153, %mul3A_188 : vector<16xf32>
        %add3A_190 = arith.constant 7 : i32
        %add3A_191 = arith.addi %add3A_120, %add3A_190 : i32
        %add3A_192 = vector.broadcast %add3A_191 : i32 to vector<16xi32>
        %add3A_193 = arith.addi %mul3A_25, %add3A_192 : vector<16xi32>
        %gather3A_194 = tpu.vector_load_idx %arg7[%add3A_193] : memref<10240xi32, #tpu.memory_space<vmem>>[vector<16xi32>], vector<16xi32>,
        %gather3A_195 = tpu.vector_load_idx %arg8[%add3A_193] : memref<10240xf32, #tpu.memory_space<vmem>>[vector<16xi32>], vector<16xf32>,
        %gather3A_196 = tpu.vector_load_idx %arg6[%gather3A_194] : memref<100000xf32, #tpu.memory_space<vmem>>[vector<16xi32>], vector<16xf32>,
        %mul3A_197 = arith.mulf %gather3A_196, %gather3A_195 : vector<16xf32>
        %add3A_198 = arith.addf %add3A_162, %mul3A_197 : vector<16xf32>
        %add3A_199 = arith.constant 8 : i32
        %add3A_200 = arith.addi %add3A_120, %add3A_199 : i32
        %add3A_201 = vector.broadcast %add3A_200 : i32 to vector<16xi32>
        %add3A_202 = arith.addi %mul3A_25, %add3A_201 : vector<16xi32>
        %gather3A_203 = tpu.vector_load_idx %arg7[%add3A_202] : memref<10240xi32, #tpu.memory_space<vmem>>[vector<16xi32>], vector<16xi32>,
        %gather3A_204 = tpu.vector_load_idx %arg8[%add3A_202] : memref<10240xf32, #tpu.memory_space<vmem>>[vector<16xi32>], vector<16xf32>,
        %gather3A_205 = tpu.vector_load_idx %arg6[%gather3A_203] : memref<100000xf32, #tpu.memory_space<vmem>>[vector<16xi32>], vector<16xf32>,
        %mul3A_206 = arith.mulf %gather3A_205, %gather3A_204 : vector<16xf32>
        %add3A_207 = arith.addf %add3A_171, %mul3A_206 : vector<16xf32>
        %add3A_208 = arith.constant 9 : i32
        %add3A_209 = arith.addi %add3A_120, %add3A_208 : i32
        %add3A_210 = vector.broadcast %add3A_209 : i32 to vector<16xi32>
        %add3A_211 = arith.addi %mul3A_25, %add3A_210 : vector<16xi32>
        %gather3A_212 = tpu.vector_load_idx %arg7[%add3A_211] : memref<10240xi32, #tpu.memory_space<vmem>>[vector<16xi32>], vector<16xi32>,
        %gather3A_213 = tpu.vector_load_idx %arg8[%add3A_211] : memref<10240xf32, #tpu.memory_space<vmem>>[vector<16xi32>], vector<16xf32>,
        %gather3A_214 = tpu.vector_load_idx %arg6[%gather3A_212] : memref<100000xf32, #tpu.memory_space<vmem>>[vector<16xi32>], vector<16xf32>,
        %mul3A_215 = arith.mulf %gather3A_214, %gather3A_213 : vector<16xf32>
        %add3A_216 = arith.addf %add3A_180, %mul3A_215 : vector<16xf32>
        %add3A_217 = arith.constant 10 : i32
        %add3A_218 = arith.addi %add3A_120, %add3A_217 : i32
        %add3A_219 = vector.broadcast %add3A_218 : i32 to vector<16xi32>
        %add3A_220 = arith.addi %mul3A_25, %add3A_219 : vector<16xi32>
        %gather3A_221 = tpu.vector_load_idx %arg7[%add3A_220] : memref<10240xi32, #tpu.memory_space<vmem>>[vector<16xi32>], vector<16xi32>,
        %gather3A_222 = tpu.vector_load_idx %arg8[%add3A_220] : memref<10240xf32, #tpu.memory_space<vmem>>[vector<16xi32>], vector<16xf32>,
        %gather3A_223 = tpu.vector_load_idx %arg6[%gather3A_221] : memref<100000xf32, #tpu.memory_space<vmem>>[vector<16xi32>], vector<16xf32>,
        %mul3A_224 = arith.mulf %gather3A_223, %gather3A_222 : vector<16xf32>
        %add3A_225 = arith.addf %add3A_189, %mul3A_224 : vector<16xf32>
        %add3A_226 = arith.constant 11 : i32
        %add3A_227 = arith.addi %add3A_120, %add3A_226 : i32
        %add3A_228 = vector.broadcast %add3A_227 : i32 to vector<16xi32>
        %add3A_229 = arith.addi %mul3A_25, %add3A_228 : vector<16xi32>
        %gather3A_230 = tpu.vector_load_idx %arg7[%add3A_229] : memref<10240xi32, #tpu.memory_space<vmem>>[vector<16xi32>], vector<16xi32>,
        %gather3A_231 = tpu.vector_load_idx %arg8[%add3A_229] : memref<10240xf32, #tpu.memory_space<vmem>>[vector<16xi32>], vector<16xf32>,
        %gather3A_232 = tpu.vector_load_idx %arg6[%gather3A_230] : memref<100000xf32, #tpu.memory_space<vmem>>[vector<16xi32>], vector<16xf32>,
        %mul3A_233 = arith.mulf %gather3A_232, %gather3A_231 : vector<16xf32>
        %add3A_234 = arith.addf %add3A_198, %mul3A_233 : vector<16xf32>
        %add3A_235 = arith.constant 12 : i32
        %add3A_236 = arith.addi %add3A_120, %add3A_235 : i32
        %add3A_237 = vector.broadcast %add3A_236 : i32 to vector<16xi32>
        %add3A_238 = arith.addi %mul3A_25, %add3A_237 : vector<16xi32>
        %gather3A_239 = tpu.vector_load_idx %arg7[%add3A_238] : memref<10240xi32, #tpu.memory_space<vmem>>[vector<16xi32>], vector<16xi32>,
        %gather3A_240 = tpu.vector_load_idx %arg8[%add3A_238] : memref<10240xf32, #tpu.memory_space<vmem>>[vector<16xi32>], vector<16xf32>,
        %gather3A_241 = tpu.vector_load_idx %arg6[%gather3A_239] : memref<100000xf32, #tpu.memory_space<vmem>>[vector<16xi32>], vector<16xf32>,
        %mul3A_242 = arith.mulf %gather3A_241, %gather3A_240 : vector<16xf32>
        %add3A_243 = arith.addf %add3A_207, %mul3A_242 : vector<16xf32>
        %add3A_244 = arith.constant 13 : i32
        %add3A_245 = arith.addi %add3A_120, %add3A_244 : i32
        %add3A_246 = vector.broadcast %add3A_245 : i32 to vector<16xi32>
        %add3A_247 = arith.addi %mul3A_25, %add3A_246 : vector<16xi32>
        %gather3A_248 = tpu.vector_load_idx %arg7[%add3A_247] : memref<10240xi32, #tpu.memory_space<vmem>>[vector<16xi32>], vector<16xi32>,
        %gather3A_249 = tpu.vector_load_idx %arg8[%add3A_247] : memref<10240xf32, #tpu.memory_space<vmem>>[vector<16xi32>], vector<16xf32>,
        %gather3A_250 = tpu.vector_load_idx %arg6[%gather3A_248] : memref<100000xf32, #tpu.memory_space<vmem>>[vector<16xi32>], vector<16xf32>,
        %mul3A_251 = arith.mulf %gather3A_250, %gather3A_249 : vector<16xf32>
        %add3A_252 = arith.addf %add3A_216, %mul3A_251 : vector<16xf32>
        %add3A_253 = arith.constant 14 : i32
        %add3A_254 = arith.addi %add3A_120, %add3A_253 : i32
        %add3A_255 = vector.broadcast %add3A_254 : i32 to vector<16xi32>
        %add3A_256 = arith.addi %mul3A_25, %add3A_255 : vector<16xi32>
        %gather3A_257 = tpu.vector_load_idx %arg7[%add3A_256] : memref<10240xi32, #tpu.memory_space<vmem>>[vector<16xi32>], vector<16xi32>,
        %gather3A_258 = tpu.vector_load_idx %arg8[%add3A_256] : memref<10240xf32, #tpu.memory_space<vmem>>[vector<16xi32>], vector<16xf32>,
        %gather3A_259 = tpu.vector_load_idx %arg6[%gather3A_257] : memref<100000xf32, #tpu.memory_space<vmem>>[vector<16xi32>], vector<16xf32>,
        %mul3A_260 = arith.mulf %gather3A_259, %gather3A_258 : vector<16xf32>
        %add3A_261 = arith.addf %add3A_225, %mul3A_260 : vector<16xf32>
        %add3A_262 = arith.constant 15 : i32
        %add3A_263 = arith.addi %add3A_120, %add3A_262 : i32
        %add3A_264 = vector.broadcast %add3A_263 : i32 to vector<16xi32>
        %add3A_265 = arith.addi %mul3A_25, %add3A_264 : vector<16xi32>
        %gather3A_266 = tpu.vector_load_idx %arg7[%add3A_265] : memref<10240xi32, #tpu.memory_space<vmem>>[vector<16xi32>], vector<16xi32>,
        %gather3A_267 = tpu.vector_load_idx %arg8[%add3A_265] : memref<10240xf32, #tpu.memory_space<vmem>>[vector<16xi32>], vector<16xf32>,
        %gather3A_268 = tpu.vector_load_idx %arg6[%gather3A_266] : memref<100000xf32, #tpu.memory_space<vmem>>[vector<16xi32>], vector<16xf32>,
        %mul3A_269 = arith.mulf %gather3A_268, %gather3A_267 : vector<16xf32>
        %add3A_270 = arith.addf %add3A_234, %mul3A_269 : vector<16xf32>
        %add3A_271 = arith.constant 16 : i32
        %add3A_272 = arith.addi %add3A_120, %add3A_271 : i32
        %add3A_273 = vector.broadcast %add3A_272 : i32 to vector<16xi32>
        %add3A_274 = arith.addi %mul3A_25, %add3A_273 : vector<16xi32>
        %gather3A_275 = tpu.vector_load_idx %arg7[%add3A_274] : memref<10240xi32, #tpu.memory_space<vmem>>[vector<16xi32>], vector<16xi32>,
        %gather3A_276 = tpu.vector_load_idx %arg8[%add3A_274] : memref<10240xf32, #tpu.memory_space<vmem>>[vector<16xi32>], vector<16xf32>,
        %gather3A_277 = tpu.vector_load_idx %arg6[%gather3A_275] : memref<100000xf32, #tpu.memory_space<vmem>>[vector<16xi32>], vector<16xf32>,
        %mul3A_278 = arith.mulf %gather3A_277, %gather3A_276 : vector<16xf32>
        %add3A_279 = arith.addf %add3A_243, %mul3A_278 : vector<16xf32>
        %add3A_280 = arith.constant 17 : i32
        %add3A_281 = arith.addi %add3A_120, %add3A_280 : i32
        %add3A_282 = vector.broadcast %add3A_281 : i32 to vector<16xi32>
        %add3A_283 = arith.addi %mul3A_25, %add3A_282 : vector<16xi32>
        %gather3A_284 = tpu.vector_load_idx %arg7[%add3A_283] : memref<10240xi32, #tpu.memory_space<vmem>>[vector<16xi32>], vector<16xi32>,
        %gather3A_285 = tpu.vector_load_idx %arg8[%add3A_283] : memref<10240xf32, #tpu.memory_space<vmem>>[vector<16xi32>], vector<16xf32>,
        %gather3A_286 = tpu.vector_load_idx %arg6[%gather3A_284] : memref<100000xf32, #tpu.memory_space<vmem>>[vector<16xi32>], vector<16xf32>,
        %mul3A_287 = arith.mulf %gather3A_286, %gather3A_285 : vector<16xf32>
        %add3A_288 = arith.addf %add3A_252, %mul3A_287 : vector<16xf32>
        %add3A_289 = arith.constant 18 : i32
        %add3A_290 = arith.addi %add3A_120, %add3A_289 : i32
        %add3A_291 = vector.broadcast %add3A_290 : i32 to vector<16xi32>
        %add3A_292 = arith.addi %mul3A_25, %add3A_291 : vector<16xi32>
        %gather3A_293 = tpu.vector_load_idx %arg7[%add3A_292] : memref<10240xi32, #tpu.memory_space<vmem>>[vector<16xi32>], vector<16xi32>,
        %gather3A_294 = tpu.vector_load_idx %arg8[%add3A_292] : memref<10240xf32, #tpu.memory_space<vmem>>[vector<16xi32>], vector<16xf32>,
        %gather3A_295 = tpu.vector_load_idx %arg6[%gather3A_293] : memref<100000xf32, #tpu.memory_space<vmem>>[vector<16xi32>], vector<16xf32>,
        %mul3A_296 = arith.mulf %gather3A_295, %gather3A_294 : vector<16xf32>
        %add3A_297 = arith.addf %add3A_261, %mul3A_296 : vector<16xf32>
        %add3A_298 = arith.constant 19 : i32
        %add3A_299 = arith.addi %add3A_120, %add3A_298 : i32
        %add3A_300 = vector.broadcast %add3A_299 : i32 to vector<16xi32>
        %add3A_301 = arith.addi %mul3A_25, %add3A_300 : vector<16xi32>
        %gather3A_302 = tpu.vector_load_idx %arg7[%add3A_301] : memref<10240xi32, #tpu.memory_space<vmem>>[vector<16xi32>], vector<16xi32>,
        %gather3A_303 = tpu.vector_load_idx %arg8[%add3A_301] : memref<10240xf32, #tpu.memory_space<vmem>>[vector<16xi32>], vector<16xf32>,
        %gather3A_304 = tpu.vector_load_idx %arg6[%gather3A_302] : memref<100000xf32, #tpu.memory_space<vmem>>[vector<16xi32>], vector<16xf32>,
        %mul3A_305 = arith.mulf %gather3A_304, %gather3A_303 : vector<16xf32>
        %add3A_306 = arith.addf %add3A_270, %mul3A_305 : vector<16xf32>
        %add3A_307 = arith.constant 20 : i32
        %add3A_308 = arith.addi %add3A_120, %add3A_307 : i32
        %add3A_309 = vector.broadcast %add3A_308 : i32 to vector<16xi32>
        %add3A_310 = arith.addi %mul3A_25, %add3A_309 : vector<16xi32>
        %gather3A_311 = tpu.vector_load_idx %arg7[%add3A_310] : memref<10240xi32, #tpu.memory_space<vmem>>[vector<16xi32>], vector<16xi32>,
        %gather3A_312 = tpu.vector_load_idx %arg8[%add3A_310] : memref<10240xf32, #tpu.memory_space<vmem>>[vector<16xi32>], vector<16xf32>,
        %gather3A_313 = tpu.vector_load_idx %arg6[%gather3A_311] : memref<100000xf32, #tpu.memory_space<vmem>>[vector<16xi32>], vector<16xf32>,
        %mul3A_314 = arith.mulf %gather3A_313, %gather3A_312 : vector<16xf32>
        %add3A_315 = arith.addf %add3A_279, %mul3A_314 : vector<16xf32>
        %add3A_316 = arith.constant 21 : i32
        %add3A_317 = arith.addi %add3A_120, %add3A_316 : i32
        %add3A_318 = vector.broadcast %add3A_317 : i32 to vector<16xi32>
        %add3A_319 = arith.addi %mul3A_25, %add3A_318 : vector<16xi32>
        %gather3A_320 = tpu.vector_load_idx %arg7[%add3A_319] : memref<10240xi32, #tpu.memory_space<vmem>>[vector<16xi32>], vector<16xi32>,
        %gather3A_321 = tpu.vector_load_idx %arg8[%add3A_319] : memref<10240xf32, #tpu.memory_space<vmem>>[vector<16xi32>], vector<16xf32>,
        %gather3A_322 = tpu.vector_load_idx %arg6[%gather3A_320] : memref<100000xf32, #tpu.memory_space<vmem>>[vector<16xi32>], vector<16xf32>,
        %mul3A_323 = arith.mulf %gather3A_322, %gather3A_321 : vector<16xf32>
        %add3A_324 = arith.addf %add3A_288, %mul3A_323 : vector<16xf32>
        %add3A_325 = arith.constant 22 : i32
        %add3A_326 = arith.addi %add3A_120, %add3A_325 : i32
        %add3A_327 = vector.broadcast %add3A_326 : i32 to vector<16xi32>
        %add3A_328 = arith.addi %mul3A_25, %add3A_327 : vector<16xi32>
        %gather3A_329 = tpu.vector_load_idx %arg7[%add3A_328] : memref<10240xi32, #tpu.memory_space<vmem>>[vector<16xi32>], vector<16xi32>,
        %gather3A_330 = tpu.vector_load_idx %arg8[%add3A_328] : memref<10240xf32, #tpu.memory_space<vmem>>[vector<16xi32>], vector<16xf32>,
        %gather3A_331 = tpu.vector_load_idx %arg6[%gather3A_329] : memref<100000xf32, #tpu.memory_space<vmem>>[vector<16xi32>], vector<16xf32>,
        %mul3A_332 = arith.mulf %gather3A_331, %gather3A_330 : vector<16xf32>
        %add3A_333 = arith.addf %add3A_297, %mul3A_332 : vector<16xf32>
        %add3A_334 = arith.constant 23 : i32
        %add3A_335 = arith.addi %add3A_120, %add3A_334 : i32
        %add3A_336 = vector.broadcast %add3A_335 : i32 to vector<16xi32>
        %add3A_337 = arith.addi %mul3A_25, %add3A_336 : vector<16xi32>
        %gather3A_338 = tpu.vector_load_idx %arg7[%add3A_337] : memref<10240xi32, #tpu.memory_space<vmem>>[vector<16xi32>], vector<16xi32>,
        %gather3A_339 = tpu.vector_load_idx %arg8[%add3A_337] : memref<10240xf32, #tpu.memory_space<vmem>>[vector<16xi32>], vector<16xf32>,
        %gather3A_340 = tpu.vector_load_idx %arg6[%gather3A_338] : memref<100000xf32, #tpu.memory_space<vmem>>[vector<16xi32>], vector<16xf32>,
        %mul3A_341 = arith.mulf %gather3A_340, %gather3A_339 : vector<16xf32>
        %add3A_342 = arith.addf %add3A_306, %mul3A_341 : vector<16xf32>
        %add3A_343 = arith.constant 24 : i32
        %add3A_344 = arith.addi %add3A_120, %add3A_343 : i32
        %add3A_345 = vector.broadcast %add3A_344 : i32 to vector<16xi32>
        %add3A_346 = arith.addi %mul3A_25, %add3A_345 : vector<16xi32>
        %gather3A_347 = tpu.vector_load_idx %arg7[%add3A_346] : memref<10240xi32, #tpu.memory_space<vmem>>[vector<16xi32>], vector<16xi32>,
        %gather3A_348 = tpu.vector_load_idx %arg8[%add3A_346] : memref<10240xf32, #tpu.memory_space<vmem>>[vector<16xi32>], vector<16xf32>,
        %gather3A_349 = tpu.vector_load_idx %arg6[%gather3A_347] : memref<100000xf32, #tpu.memory_space<vmem>>[vector<16xi32>], vector<16xf32>,
        %mul3A_350 = arith.mulf %gather3A_349, %gather3A_348 : vector<16xf32>
        %add3A_351 = arith.addf %add3A_315, %mul3A_350 : vector<16xf32>
        %add3A_352 = arith.constant 25 : i32
        %add3A_353 = arith.addi %add3A_120, %add3A_352 : i32
        %add3A_354 = vector.broadcast %add3A_353 : i32 to vector<16xi32>
        %add3A_355 = arith.addi %mul3A_25, %add3A_354 : vector<16xi32>
        %gather3A_356 = tpu.vector_load_idx %arg7[%add3A_355] : memref<10240xi32, #tpu.memory_space<vmem>>[vector<16xi32>], vector<16xi32>,
        %gather3A_357 = tpu.vector_load_idx %arg8[%add3A_355] : memref<10240xf32, #tpu.memory_space<vmem>>[vector<16xi32>], vector<16xf32>,
        %gather3A_358 = tpu.vector_load_idx %arg6[%gather3A_356] : memref<100000xf32, #tpu.memory_space<vmem>>[vector<16xi32>], vector<16xf32>,
        %mul3A_359 = arith.mulf %gather3A_358, %gather3A_357 : vector<16xf32>
        %add3A_360 = arith.addf %add3A_324, %mul3A_359 : vector<16xf32>
        %add3A_361 = arith.constant 26 : i32
        %add3A_362 = arith.addi %add3A_120, %add3A_361 : i32
        %add3A_363 = vector.broadcast %add3A_362 : i32 to vector<16xi32>
        %add3A_364 = arith.addi %mul3A_25, %add3A_363 : vector<16xi32>
        %gather3A_365 = tpu.vector_load_idx %arg7[%add3A_364] : memref<10240xi32, #tpu.memory_space<vmem>>[vector<16xi32>], vector<16xi32>,
        %gather3A_366 = tpu.vector_load_idx %arg8[%add3A_364] : memref<10240xf32, #tpu.memory_space<vmem>>[vector<16xi32>], vector<16xf32>,
        %gather3A_367 = tpu.vector_load_idx %arg6[%gather3A_365] : memref<100000xf32, #tpu.memory_space<vmem>>[vector<16xi32>], vector<16xf32>,
        %mul3A_368 = arith.mulf %gather3A_367, %gather3A_366 : vector<16xf32>
        %add3A_369 = arith.addf %add3A_333, %mul3A_368 : vector<16xf32>
        %add3A_370 = arith.constant 27 : i32
        %add3A_371 = arith.addi %add3A_120, %add3A_370 : i32
        %add3A_372 = vector.broadcast %add3A_371 : i32 to vector<16xi32>
        %add3A_373 = arith.addi %mul3A_25, %add3A_372 : vector<16xi32>
        %gather3A_374 = tpu.vector_load_idx %arg7[%add3A_373] : memref<10240xi32, #tpu.memory_space<vmem>>[vector<16xi32>], vector<16xi32>,
        %gather3A_375 = tpu.vector_load_idx %arg8[%add3A_373] : memref<10240xf32, #tpu.memory_space<vmem>>[vector<16xi32>], vector<16xf32>,
        %gather3A_376 = tpu.vector_load_idx %arg6[%gather3A_374] : memref<100000xf32, #tpu.memory_space<vmem>>[vector<16xi32>], vector<16xf32>,
        %mul3A_377 = arith.mulf %gather3A_376, %gather3A_375 : vector<16xf32>
        %add3A_378 = arith.addf %add3A_342, %mul3A_377 : vector<16xf32>
        %add3A_379 = arith.constant 28 : i32
        %add3A_380 = arith.addi %add3A_120, %add3A_379 : i32
        %add3A_381 = vector.broadcast %add3A_380 : i32 to vector<16xi32>
        %add3A_382 = arith.addi %mul3A_25, %add3A_381 : vector<16xi32>
        %gather3A_383 = tpu.vector_load_idx %arg7[%add3A_382] : memref<10240xi32, #tpu.memory_space<vmem>>[vector<16xi32>], vector<16xi32>,
        %gather3A_384 = tpu.vector_load_idx %arg8[%add3A_382] : memref<10240xf32, #tpu.memory_space<vmem>>[vector<16xi32>], vector<16xf32>,
        %gather3A_385 = tpu.vector_load_idx %arg6[%gather3A_383] : memref<100000xf32, #tpu.memory_space<vmem>>[vector<16xi32>], vector<16xf32>,
        %mul3A_386 = arith.mulf %gather3A_385, %gather3A_384 : vector<16xf32>
        %add3A_387 = arith.addf %add3A_351, %mul3A_386 : vector<16xf32>
        %add3A_388 = arith.constant 29 : i32
        %add3A_389 = arith.addi %add3A_120, %add3A_388 : i32
        %add3A_390 = vector.broadcast %add3A_389 : i32 to vector<16xi32>
        %add3A_391 = arith.addi %mul3A_25, %add3A_390 : vector<16xi32>
        %gather3A_392 = tpu.vector_load_idx %arg7[%add3A_391] : memref<10240xi32, #tpu.memory_space<vmem>>[vector<16xi32>], vector<16xi32>,
        %gather3A_393 = tpu.vector_load_idx %arg8[%add3A_391] : memref<10240xf32, #tpu.memory_space<vmem>>[vector<16xi32>], vector<16xf32>,
        %gather3A_394 = tpu.vector_load_idx %arg6[%gather3A_392] : memref<100000xf32, #tpu.memory_space<vmem>>[vector<16xi32>], vector<16xf32>,
        %mul3A_395 = arith.mulf %gather3A_394, %gather3A_393 : vector<16xf32>
        %add3A_396 = arith.addf %add3A_360, %mul3A_395 : vector<16xf32>
        %add3A_397 = arith.constant 30 : i32
        %add3A_398 = arith.addi %add3A_120, %add3A_397 : i32
        %add3A_399 = vector.broadcast %add3A_398 : i32 to vector<16xi32>
        %add3A_400 = arith.addi %mul3A_25, %add3A_399 : vector<16xi32>
        %gather3A_401 = tpu.vector_load_idx %arg7[%add3A_400] : memref<10240xi32, #tpu.memory_space<vmem>>[vector<16xi32>], vector<16xi32>,
        %gather3A_402 = tpu.vector_load_idx %arg8[%add3A_400] : memref<10240xf32, #tpu.memory_space<vmem>>[vector<16xi32>], vector<16xf32>,
        %gather3A_403 = tpu.vector_load_idx %arg6[%gather3A_401] : memref<100000xf32, #tpu.memory_space<vmem>>[vector<16xi32>], vector<16xf32>,
        %mul3A_404 = arith.mulf %gather3A_403, %gather3A_402 : vector<16xf32>
        %add3A_405 = arith.addf %add3A_369, %mul3A_404 : vector<16xf32>
        %add3A_406 = arith.constant 31 : i32
        %add3A_407 = arith.addi %add3A_120, %add3A_406 : i32
        %add3A_408 = vector.broadcast %add3A_407 : i32 to vector<16xi32>
        %add3A_409 = arith.addi %mul3A_25, %add3A_408 : vector<16xi32>
        %gather3A_410 = tpu.vector_load_idx %arg7[%add3A_409] : memref<10240xi32, #tpu.memory_space<vmem>>[vector<16xi32>], vector<16xi32>,
        %gather3A_411 = tpu.vector_load_idx %arg8[%add3A_409] : memref<10240xf32, #tpu.memory_space<vmem>>[vector<16xi32>], vector<16xf32>,
        %gather3A_412 = tpu.vector_load_idx %arg6[%gather3A_410] : memref<100000xf32, #tpu.memory_space<vmem>>[vector<16xi32>], vector<16xf32>,
        %mul3A_413 = arith.mulf %gather3A_412, %gather3A_411 : vector<16xf32>
        %add3A_414 = arith.addf %add3A_378, %mul3A_413 : vector<16xf32>
        %add3A_415 = arith.addf %add3A_387, %add3A_396 : vector<16xf32>
        %add3A_416 = arith.addf %add3A_405, %add3A_414 : vector<16xf32>
        %add3A_417 = arith.addf %add3A_415, %add3A_416 : vector<16xf32>
        %neg3A = arith.constant 0.000000e+00 : f32
        %neg3A_418 = vector.broadcast %neg3A : f32 to vector<16xf32>
        %neg3A_419 = arith.subf %neg3A_418, %add3A_417 : vector<16xf32>
        %exp3A = math.exp %neg3A_419 : vector<16xf32>
        %sub3A_420 = arith.constant 1.000000e+00 : f32
        %sub3A_421 = vector.broadcast %sub3A_420 : f32 to vector<16xf32>
        %sub3A_422 = arith.subf %sub3A_421, %exp3A : vector<16xf32>
        %mul3A_423 = arith.constant 16 : i32
        %mul3A_424 = arith.muli %scan3A_116, %mul3A_423 : i32
        %add3A_425 = arith.addi %mul3A_76, %mul3A_424 : i32
        %swap3A = arith.index_cast %add3A_425 : i32 to index
        %swap3A_426 = tpu.vector_load %arg9[%swap3A] {strides = array<i32>} : memref<320xf32, #tpu.memory_space<vmem>>, vector<16xf32>,
        tpu.vector_store %arg9[%swap3A], %sub3A_422 {strides = array<i32>} : memref<320xf32, #tpu.memory_space<vmem>>, vector<16xf32>,
        %scan3A_427 = arith.constant 0 : i32
        scf.yield %scan3A_427 : i32
      }
      %scan3A_108 = arith.constant 10 : i32
      %mul3A_109 = arith.constant 160 : i32
      %mul3A_110 = arith.muli %add3A_79, %mul3A_109 : i32
      %dma_start3A_111 = tpu.memref_slice %arg9[%mul3A_76] : memref<320xf32, #tpu.memory_space<vmem>> -> memref<160xf32, #tpu.memory_space<vmem>>
      %dma_start3A_112 = tpu.memref_slice %arg5[%mul3A_110] : memref<800000xf32, #tpu.memory_space<hbm>> -> memref<160xf32, #tpu.memory_space<hbm>>
      %dma_start3A_113 = tpu.memref_slice %arg5[%mul3A_110] : memref<800000xf32, #tpu.memory_space<hbm>> -> memref<160xf32, #tpu.memory_space<hbm>>
      %dma_start3A_114 = tpu.memref_slice %arg9[%mul3A_76] : memref<320xf32, #tpu.memory_space<vmem>> -> memref<160xf32, #tpu.memory_space<vmem>>
      tpu.enqueue_dma source(%dma_start3A_114 : memref<160xf32, #tpu.memory_space<vmem>>) target(%dma_start3A_113 : memref<160xf32, #tpu.memory_space<hbm>>) target_semaphore(%arg11 : memref<!tpu.dma_semaphore, #tpu.memory_space<semaphore_mem>>)
      %while3A_115 = arith.constant 0 : i32
      scf.yield %while3A_115 : i32
    }
    %dma_wait3A = arith.constant 0 : i32
    %dma_wait3A_52 = tpu.memref_slice %arg9[%dma_wait3A] : memref<320xf32, #tpu.memory_space<vmem>> -> memref<160xf32, #tpu.memory_space<vmem>>
    %dma_wait3A_53 = arith.constant 0 : i32
    %dma_wait3A_54 = tpu.memref_slice %arg5[%dma_wait3A_53] : memref<800000xf32, #tpu.memory_space<hbm>> -> memref<160xf32, #tpu.memory_space<hbm>>
    %dma_wait3A_55 = arith.constant 0 : i32
    %dma_wait3A_56 = tpu.memref_slice %arg5[%dma_wait3A_55] : memref<800000xf32, #tpu.memory_space<hbm>> -> memref<160xf32, #tpu.memory_space<hbm>>
    %dma_wait3A_57 = arith.constant 0 : i32
    %dma_wait3A_58 = tpu.memref_slice %arg9[%dma_wait3A_57] : memref<320xf32, #tpu.memory_space<vmem>> -> memref<160xf32, #tpu.memory_space<vmem>>
    tpu.wait_dma2 semaphore(%arg11 : memref<!tpu.dma_semaphore, #tpu.memory_space<semaphore_mem>>) src(%dma_wait3A_58 : memref<160xf32, #tpu.memory_space<vmem>>) dst(%dma_wait3A_56 : memref<160xf32, #tpu.memory_space<hbm>>)
    %dma_wait3A_59 = arith.constant 0 : i32
    %dma_wait3A_60 = tpu.memref_slice %arg9[%dma_wait3A_59] : memref<320xf32, #tpu.memory_space<vmem>> -> memref<160xf32, #tpu.memory_space<vmem>>
    %dma_wait3A_61 = arith.constant 0 : i32
    %dma_wait3A_62 = tpu.memref_slice %arg5[%dma_wait3A_61] : memref<800000xf32, #tpu.memory_space<hbm>> -> memref<160xf32, #tpu.memory_space<hbm>>
    %dma_wait3A_63 = arith.constant 0 : i32
    %dma_wait3A_64 = tpu.memref_slice %arg5[%dma_wait3A_63] : memref<800000xf32, #tpu.memory_space<hbm>> -> memref<160xf32, #tpu.memory_space<hbm>>
    %dma_wait3A_65 = arith.constant 0 : i32
    %dma_wait3A_66 = tpu.memref_slice %arg9[%dma_wait3A_65] : memref<320xf32, #tpu.memory_space<vmem>> -> memref<160xf32, #tpu.memory_space<vmem>>
    tpu.wait_dma2 semaphore(%arg11 : memref<!tpu.dma_semaphore, #tpu.memory_space<semaphore_mem>>) src(%dma_wait3A_66 : memref<160xf32, #tpu.memory_space<vmem>>) dst(%dma_wait3A_64 : memref<160xf32, #tpu.memory_space<hbm>>)
    return
  }
}

</mosaic_0001>

<sc_bundles>
// kernel: kernel.3.cloned.1.call-start
scs
__scs_entry_jumppad:
0x0: {  	(pc) =	sbr.rel $0x88, $3  }
0x1: {  	(tag) =	ssettag $0x0;
	lr =	simm.s32 $0x1  }
0x2: {  	[smem:$0x3F9E] =	sst lr;
	_ =	strace $0xD0000000  }
0x3: {  	_ = 	snop  }
0x4: {  	_ = 	snop  }
0x5: {  	_ = 	snop  }
0x6: {  	_ = 	snop  }
0x7: {  	_ = 	snop  }
__scs_overlays_trampoline_lowered:
0x8: {  	[smem:$0x3FAD] =	sst s0  }
0x9: {  	[smem:$0x3FAE] =	sst s1  }
0xa: {  	[smem:$0x3FAF] =	sst s2  }
0xb: {  	[smem:$0x3FB0] =	sst s3  }
0xc: {  	[smem:$0x3FB1] =	sst s4  }
0xd: {  	[smem:$0x3FB2] =	sst s5  }
0xe: {  	[smem:$0x3FB3] =	sst s6  }
0xf: {  	[smem:$0x3FB4] =	sst s7  }
0x10: {  	[smem:$0x3FB5] =	sst s8  }
0x11: {  	[smem:$0x3FB6] =	sst s9;
	s0 =	simm.s32 @!p0 $0x0  }
0x12: {  	s1 =	sld [smem:$0x3F9C];
	s0 =	simm.s32 @p0 $0x1  }
0x13: {  	[smem:$0x3FB7] =	sst s0;
	s0 =	simm.s32 @!p1 $0x0  }
0x14: {  	s2 =	sld [smem:$0x3F9B];
	s0 =	simm.s32 @p1 $0x1  }
0x15: {  	[smem:$0x3FB8] =	sst s0;
	s0 =	simm.s32 @!p2 $0x0  }
0x16: {  	s3 =	sld [smem:$0x3FDB];
	s0 =	simm.s32 @p2 $0x1  }
0x17: {  	s4 =	simm.s32 $0x1BF5;
	[smem:$0x3FBA] =	sst s0  }
0x18: {  	s0 =	sld [smem:$0x3F9D];
	_ =	swait.ge [sflag:s4], $0x0  }
0x19: {  	s7 =	sld [smem:$0x3F9E]  }
0x1a: {  	s8 =	sadd.s32 $0xFFFFE003, lr  }
0x1b: {  	s9 =	sadd.s32 $0xFFFFFEF7, lr;
	s5 =	simm.s32 $0xFFFFFFFF;
	p2 =	slt.u32 s8, $0xFFFFF086  }
0x1c: {  	p1 =	slt.u32 s9, $0xF7A;
	s5 =	simm.s32 @!p2 $0x0  }
0x1d: {  	s5 =	simm.s32 @p1 $0x1;
	p0 =	seq.s32 s7, s2  }
0x1e: {  	s7 =	smul.u32 @!p0 $0xF7A, s2;
	p2 =	seq.s32 @!p0 s5, $0x0  }
0x1f: {  	s9 =	smul.u32 $0xF7A, s1;
	s8 =	simm.s32 @!p0 $0x1BF5;
	p2 =	por !p2, p0  }
0x20: {  	[sflag:s8] =	ssyncset.s32 @!p0 $0xFFFFF086;
	s6 =	sadd.s32 @!p0 s3, s7;
	s7 =	simm.s32 @!p0 $0x108  }
0x21: {  	s3 =	sadd.s32 s3, s9;
	s6 =	sadd.s32 @!p0 $0x88, s6;
	s7 =	simm.s32 @p2 $0x1082  }
0x22: {  	[simem:s7], [sflag:s8] =	dma.local @!p0 [hbm:s6], $0xF7A  }
0x23: {  	s9 =	sor.u32 $0xD0000000, s2;
	s6 =	simm.s32 $0x108;
	_ =	swait.ge @!p0 [sflag:s8], $0x0  }
0x24: {  	s3 =	sadd.s32 $0x88, s3;
	s6 =	simm.s32 @!p1 $0x1082;
	[sflag:s4] =	ssyncset.s32 $0xFFFFF086  }
0x25: {  	[simem:s6], [sflag:s4] =	dma.local [hbm:s3], $0xF7A  }
0x26: {  	[smem:$0x3F9E] =	sst s1;
	(tag) =	ssettag s2;
	_ =	strace s9  }
0x27: {  	s1 =	sld [smem:$0x3FAE]  }
0x28: {  	s2 =	sld [smem:$0x3FAF]  }
0x29: {  	s4 =	sld [smem:$0x3FB1]  }
0x2a: {  	p0 =	seq.s32 s5, $0x0;
	s5 =	sld [smem:$0x3FB2]  }
0x2b: {  	s6 =	sld [smem:$0x3FB3]  }
0x2c: {  	s7 =	sld [smem:$0x3FB4]  }
0x2d: {  	s3 =	simm.s32 $0x108;
	s8 =	sld [smem:$0x3FB5]  }
0x2e: {  	s3 =	simm.s32 @!p0 $0x1082;
	s9 =	sld [smem:$0x3FB6]  }
0x2f: {  	lr =	sadd.s32 s0, s3;
	s0 =	sld [smem:$0x3FAD]  }
0x30: {  	s3 =	sld [smem:$0x3FB0]  }
0x31: {  	[smem:$0x3FB9] =	sst s10  }
0x32: {  	s10 =	sld [smem:$0x3FB7];
	_ =	sdelay $0x3  }
0x33: {  	p0 =	seq.s32 s10, $0x1;
	s10 =	sld [smem:$0x3FB9];
	_ =	sdelay $0x3  }
0x34: {  	[smem:$0x3FB9] =	sst s10  }
0x35: {  	s10 =	sld [smem:$0x3FB8];
	_ =	sdelay $0x3  }
0x36: {  	p1 =	seq.s32 s10, $0x1;
	s10 =	sld [smem:$0x3FB9];
	_ =	sdelay $0x3  }
0x37: {  	[smem:$0x3FB9] =	sst s10  }
0x38: {  	s10 =	sld [smem:$0x3FBA]  }
0x39: {  	_ = 	snop;
	(pc) =	sbr.ind lr, $3  }
0x3a: {  	_ = 	snop  }
0x3b: {  	_ = 	snop  }
0x3c: {  	p2 =	seq.s32 s10, $0x1;
	s10 =	sld [smem:$0x3FB9]  }
0x3d: {  	_ =	shalt  }
0x3e: {  	_ =	shalt  }
0x3f: {  	_ =	shalt  }
0x40: {  	_ =	shalt  }
0x41: {  	_ =	shalt  }
0x42: {  	_ =	shalt  }
0x43: {  	_ =	shalt  }
0x44: {  	_ =	shalt  }
0x45: {  	_ =	shalt  }
0x46: {  	_ =	shalt  }
0x47: {  	_ =	shalt  }
0x48: {  	_ =	shalt  }
0x49: {  	_ =	shalt  }
0x4a: {  	_ =	shalt  }
0x4b: {  	_ =	shalt  }
0x4c: {  	_ =	shalt  }
0x4d: {  	_ =	shalt  }
0x4e: {  	_ =	shalt  }
0x4f: {  	_ =	shalt  }
0x50: {  	_ =	shalt  }
0x51: {  	_ =	shalt  }
0x52: {  	_ =	shalt  }
0x53: {  	_ =	shalt  }
0x54: {  	_ =	shalt  }
0x55: {  	_ =	shalt  }
0x56: {  	_ =	shalt  }
0x57: {  	_ =	shalt  }
0x58: {  	_ =	shalt  }
0x59: {  	_ =	shalt  }
0x5a: {  	_ =	shalt  }
0x5b: {  	_ =	shalt  }
0x5c: {  	_ =	shalt  }
0x5d: {  	_ =	shalt  }
0x5e: {  	_ =	shalt  }
0x5f: {  	_ =	shalt  }
0x60: {  	_ =	shalt  }
0x61: {  	_ =	shalt  }
0x62: {  	_ =	shalt  }
0x63: {  	_ =	shalt  }
0x64: {  	_ =	shalt  }
0x65: {  	_ =	shalt  }
0x66: {  	_ =	shalt  }
0x67: {  	_ =	shalt  }
0x68: {  	_ =	shalt  }
0x69: {  	_ =	shalt  }
0x6a: {  	_ =	shalt  }
0x6b: {  	_ =	shalt  }
0x6c: {  	_ =	shalt  }
0x6d: {  	_ =	shalt  }
0x6e: {  	_ =	shalt  }
0x6f: {  	_ =	shalt  }
0x70: {  	_ =	shalt  }
0x71: {  	_ =	shalt  }
0x72: {  	_ =	shalt  }
0x73: {  	_ =	shalt  }
0x74: {  	_ =	shalt  }
0x75: {  	_ =	shalt  }
0x76: {  	_ =	shalt  }
0x77: {  	_ =	shalt  }
0x78: {  	_ =	shalt  }
0x79: {  	_ =	shalt  }
0x7a: {  	_ =	shalt  }
0x7b: {  	_ =	shalt  }
0x7c: {  	_ =	shalt  }
0x7d: {  	_ =	shalt  }
0x7e: {  	_ =	shalt  }
0x7f: {  	_ =	shalt  }
0x80: {  	_ =	shalt  }
0x81: {  	_ =	shalt  }
0x82: {  	_ =	shalt  }
0x83: {  	_ =	shalt  }
0x84: {  	_ =	shalt  }
0x85: {  	_ =	shalt  }
0x86: {  	_ =	shalt  }
0x87: {  	_ =	shalt  }
.Lfunc_end0:
.L_simem_size_0:
called_computation_lowered:
.L_overlay_start_0:
0x88: {  	s2 =	sld [smem:$0x3FD9]  }
0x89: {  	s3 =	sld [smem:$0x3FFE];
	_ =	sdelay $0x1  }
0x8a: {  	s1 =	srdreg.scid  }
0x8b: {  	s0 =	sand.u32 $0x1, s1  }
0x8c: {  	s17 =	sshll.u32 s0, $0xA;
	s2 =	sadd.s32 s3, s2  }
0x8d: {  	s2 =	sadd.s32 s2, s17  }
0x8e: {  	[smem:$0x3FC5] =	sst s2  }
0x8f: {  	_ = 	snop  }
0x90: {  	s2 =	sld [smem:$0x3FC9];
	(tm) =	ssettm $0x1  }
0x91: {  	s18 =	sld [smem:$0x3FFB];
	_ =	sdelay $0x3  }
0x92: {  	_ =	strace s18  }
0x93: {  	s3 =	sld [smem:$0x3FFC];
	_ =	sdelay $0x3  }
0x94: {  	_ =	strace s3  }
0x95: {  	s3 =	sld [smem:$0x3FFD];
	_ =	sdelay $0x3  }
0x96: {  	_ =	strace s3  }
0x97: {  	_ =	strace $0x8FFFFFFF  }
0x98: {  	s19 =	sld [smem:$0x3FDB];
	_ =	sdelay $0x1  }
0x99: {  	s4 =	simm.s32 $_scs_section_size  }
0x9a: {  	s5 =	simm.s32 $_size__tile_overlayer_lowered;
	s6 =	simm.s32 $_tile_overlayer_lowered  }
0x9b: {  	s22 =	simm.s32 $0x1BFF;
	s21 =	sshll.u32 s6, $0x1;
	s3 =	sadd.s32 s4, s19  }
0x9c: {  	s7 =	simm.s32 $0x0;
	s20 =	sshll.u32 s5, $0x1;
	s5 =	sadd.s32 s21, s3  }
0x9d: {  	[timem:s7], [sflag:s22] =	dma.local [hbm:s5], s20  }
0x9e: {  	_ =	swait.ge [sflag:s22], s20  }
0x9f: {  	s4 =	ssub.s32 $0x0, s20;
	[sflag:s22] =	ssyncset.done $0x0  }
0xa0: {  	[sflag:s22] =	ssyncadd.s32 s4;
	_ =	sdelay $0x1  }
0xa1: {  	s23 =	simm.s32 $0x1B8B  }
0xa2: {  	_ =	swait.ge [sflag:s23], $0x1  }
0xa3: {  	[sflag:s23] =	ssyncset.done $0x0  }
0xa4: {  	s25 =	simm.s32 $0x1B8E;
	s24 =	sld [smem:$0x3FFE];
	[sflag:s23] =	ssyncadd.s32 $0xFFFFFFFF  }
0xa5: {  	s26 =	simm.s32 $execute0_lowered;
	[smem:$0x3FD2] =	sst s25  }
0xa6: {  	s5 =	sshll.u32 s26, $0x1;
	_ =	strace $0x80000046;
	[dreg:$0x1] =	wrdreg $0xFFFFFFFF  }
0xa7: {  	s28 =	simm.s32 $_size_execute0_lowered;
	s3 =	sadd.s32 s3, s5;
	[dreg:$0x0] =	wrdreg $0x0  }
0xa8: {  	s5 =	sshll.u32 s28, $0x1;
	[dreg:$0x2] =	wrdreg s3  }
0xa9: {  	[dreg:$0x3] =	wrdreg s5  }
0xaa: {  	[dreg:$0x4] =	wrdreg $0xC0  }
0xab: {  	_ =	task [dreg:s7], $0x5FFFF  }
0xac: {  	[dreg:$0x1] =	wrdreg $0xFFFFFFFF  }
0xad: {  	[dreg:$0x0] =	wrdreg $0x60  }
0xae: {  	[dreg:$0x2] =	wrdreg s2  }
0xaf: {  	[dreg:$0x3] =	wrdreg s24  }
0xb0: {  	[dreg:$0x4] =	wrdreg $0x9  }
0xb1: {  	_ =	task.clear_ibuf [dreg:s7], $0x5FFFF;
	_ =	strace $0x90000046  }
0xb2: {  	s29 =	simm.s32 $0x9;
	_ =	strace $0x80000048  }
0xb3: {  	_ =	swait.ge [sflag:s29], $0x1  }
0xb4: {  	[sflag:s29] =	ssyncadd.s32 $0xFFFFFFFF  }
0xb5: {  	_ =	strace $0x90000048  }
0xb6: {  	_ =	sfence  }
0xb7: {  	s30 =	sld [smem:$0x0];
	_ =	sdelay $0x2  }
0xb8: {  	s31 =	sshll.u32 s1, $0xD;
	s1 =	sshrl.u32 s1, $0x2  }
0xb9: {  	s3 =	sand.u32 $0x4000, s31;
	s1 =	sadd.s32 s1, s30  }
0xba: {  	s0 =	sor.u32 s3, s0;
	s1 =	sshll.u32 s1, $0x11  }
0xbb: {  	s0 =	sor.u32 s1, s0  }
0xbc: {  	s0 =	sadd.s32 $0x8F2B, s0  }
0xbd: {  	[sflag:s0] =	ssyncadd.remote.s32 $0x1  }
0xbe: {  	_ =	sfence.sel $0xFFFF  }
0xbf: {  	[dreg:$0x0] =	wrdreg $0xFFFFFFFF;
	(pc) =	sbr.abs _section_cstart, $3  }
0xc0: {  	[dreg:$0x1] =	wrdreg $0xFFFFFFFF  }
0xc1: {  	_ =	task.clear_ibuf [dreg:s7], $0x2FFFF;
	_ =	strace $0x9FFFFFFF  }
0xc2: {  	(tm) =	ssettm $0x7FFFFFFF  }
0xc3: {  	_ =	shalt  }
tec
execute0_lowered:
.L_overlay_start_1:
0x0: {  	(tag) =	ssettag $0x1  }
0x1: {  	s1 =	rddreg [dreg:$0x0]  }
0x2: {  	s7 =	rddreg [dreg:$0x1]  }
0x3: {  	s0 =	rddreg [dreg:$0x2];
	s3 =	simm.s32 $0x0;
	s5 =	srdreg.scid  }
0x4: {  	s2 =	stileid.u32;
	s13 =	simm.s32 $0x1AF00;
	s14 =	simm.s32 $0x3  }
0x5: {  	s15 =	simm.s32 $0x1;
	s16 =	simm.s32 $0x2;
	s17 =	simm.s32 $0x0  }
0x6: {  	[smem:$0x7FF] =	sst s3;
	s6 =	sand.u32 $0x1, s5;
	s8 =	sshll.u32 s2, $0x1  }
0x7: {  	s4 =	sadd.s32 $0xC35400, s7;
	s9 =	ssub.s32 $0x2, s6;
	s6 =	sor.u32 s6, s8  }
0x8: {  	s5 =	sadd.s32 $0xF42800, s7;
	s7 =	sadd.s32 $0x400, s7;
	s11 =	smul.u32 $0x280, s6  }
0x9: {  	_ =	strace $0x80000047;
	s31 =	sshrl.u32 s9, $0x1;
	s10 =	ssub.s32 $0x13A7, s6  }
0xa: {  	v0 =	vlaneseq.u32;
	s12 =	ssub.s32 s9, s31;
	s8 =	sshrl.u32 s10, $0x5;
	s9 =	sadd.s32 s5, s11  }
0xb: {  	v0 =	vmul.u32 $0x20, v0;
	s10 =	sadd.s32 s4, s11;
	s11 =	smax.u32 s12, $0x1;
	s12 =	simm.s32 $0x18700  }
.LBB2_1:
0xc: {  	[tilespmem:s12], [sflag:$0x1] =	stream.linear.gather [hbm4b:s9+s3], $0x1400, $0x38;
	[tilespmem:$0x1D880] =	vst v63  }
0xd: {  	_ = 	snop  }
0xe: {  	[tilespmem:s13], [sflag:$0x1] =	stream.linear.gather [hbm4b:s10+s3], $0x1400, $0x38;
	[tilespmem:$0x1D880] =	vst v63  }
0xf: {  	_ = 	snop  }
0x10: {  	[tilespmem:s3], [sflag:$0x3] =	stream.linear.gather [hbm4b:s1+s3], $0x18700, $0x38;
	[tilespmem:$0x1D880] =	vst v63  }
0x11: {  	_ =	swait.ge [sflag:s14], $0x18700  }
0x12: {  	[sflag:s14] =	ssyncset.done $0x0  }
0x13: {  	p0 =	por $0x0, $0x0;
	s18 =	simm.s32 $0x0;
	[sflag:s14] =	ssyncadd.s32 $0xFFFE7900  }
.LBB2_2:
0x14: {  	s22 =	smov.u32 s18;
	s19 =	sshll.u32 s18, $0x5;
	s18 =	sadd.s32 $0x1, s18  }
0x15: {  	s19 =	sor.u32 s6, s19;
	p1 =	sge.u32 s18, s8  }
0x16: {  	s23 =	smul.u32 @!p1 $0x1400, s19  }
0x17: {  	s20 =	simm.s32 $0x1;
	s21 =	sand.u32 $0x1, s22  }
0x18: {  	s20 =	simm.s32 @!p0 $0x0;
	s24 =	smul.u32 $0x1400, s21;
	s23 =	sadd.s32 @!p1 $0x28000, s23  }
0x19: {  	s25 =	smul.u32 $0x1400, s20;
	s23 =	sshrl.u32 @!p1 s23, $0x3  }
0x1a: {  	s29 =	simm.s32 @!p1 $0x0;
	s26 =	ssub.s32 @!p1 $0x19B00, s24;
	s28 =	sadd.s32 @!p1 s5, s23  }
0x1b: {  	[tilespmem:s26], [sflag:$0x1] =	stream.linear.gather @!p1 [hbm4b:s28+s29], $0x1400, $0x38;
	[tilespmem:$0x1D880] =	vst v63  }
0x1c: {  	[dreg:$0x3] =	wrdreg s25;
	s24 =	ssub.s32 @!p1 $0x1C300, s24;
	s23 =	sadd.s32 @!p1 s4, s23  }
0x1d: {  	[tilespmem:s24], [sflag:$0x1] =	stream.linear.gather @!p1 [hbm4b:s23+s29], $0x1400, $0x38;
	[tilespmem:$0x1D880] =	vst v63  }
0x1e: {  	_ =	swait.ge [sflag:s15], $0x1400  }
0x1f: {  	[sflag:s15] =	ssyncset.done $0x0  }
0x20: {  	[sflag:s15] =	ssyncadd.s32 $0xFFFFEC00  }
0x21: {  	_ =	swait.ge [sflag:s15], $0x1400  }
0x22: {  	p1 =	slt.u32 s22, $0x2;
	[sflag:s15] =	ssyncset.done $0x0  }
0x23: {  	s23 =	simm.s32 @!p1 $0x2;
	[sflag:s15] =	ssyncadd.s32 $0xFFFFEC00  }
0x24: {  	_ =	swait.ge @!p1 [sflag:s23], $0xA0  }
0x25: {  	s29 =	rddreg [dreg:$0x3]  }
0x26: {  	s22 =	sadd.s32 $0x0, s29  }
0x27: {  	v55 =	vor.u32 s22, v0  }
0x28: {  	s30 =	sadd.s32 $0x1C, s22  }
0x29: {  	v1 =	vor.u32 s30, v0  }
0x2a: {  	[sflag:s23] =	ssyncset.done @!p1 $0x0;
	s31 =	sadd.s32 $0x1D, s22  }
0x2b: {  	[sflag:s23] =	ssyncadd.s32 @!p1 $0xFFFFFF60;
	v2 =	vor.u32 s31, v0  }
0x2c: {  	s24 =	sadd.s32 $0x1E, s22;
	v59 =	vld.idx.msk [tilespmem:v55+s13+$0x0], $0xffff  }
0x2d: {  	s25 =	sadd.s32 $0x1F, s22;
	v4 =	vor.u32 s24, v0;
	v55 =	vld.idx.msk [tilespmem:v55+s12+$0x0], $0xffff  }
0x2e: {  	s26 =	sadd.s32 $0x18, s22;
	v5 =	vor.u32 s25, v0;
	v3 =	vld.idx.msk [tilespmem:v1+s12+$0x0], $0xffff  }
0x2f: {  	s28 =	sadd.s32 $0x19, s22;
	v6 =	vor.u32 s26, v0;
	v11 =	vld.idx.msk [tilespmem:v1+s13+$0x0], $0xffff  }
0x30: {  	v8 =	vor.u32 s28, v0;
	v7 =	vld.idx.msk [tilespmem:v2+s12+$0x0], $0xffff  }
0x31: {  	v14 =	vld.idx.msk [tilespmem:v2+s13+$0x0], $0xffff  }
0x32: {  	v2 =	vld.idx.msk [tilespmem:v4+s13+$0x0], $0xffff  }
0x33: {  	v1 =	vld.idx.msk [tilespmem:v5+s13+$0x0], $0xffff  }
0x34: {  	s30 =	sadd.s32 $0x1B, s22;
	v15 =	vld.idx.msk [tilespmem:v6+s13+$0x0], $0xffff  }
0x35: {  	s24 =	sadd.s32 $0x15, s22;
	v12 =	vor.u32 s30, v0;
	v17 =	vld.idx.msk [tilespmem:v8+s13+$0x0], $0xffff  }
0x36: {  	v13 =	vor.u32 s24, v0;
	v10 =	vld.idx.msk [tilespmem:v6+s12+$0x0], $0xffff  }
0x37: {  	s29 =	sadd.s32 $0x1A, s22;
	s28 =	sadd.s32 $0x10, s22;
	v8 =	vld.idx.msk [tilespmem:v8+s12+$0x0], $0xffff  }
0x38: {  	v9 =	vor.u32 s29, v0;
	s29 =	sadd.s32 $0x11, s22;
	v26 =	vor.u32 s28, v0;
	v6 =	vld.idx.msk [tilespmem:v4+s12+$0x0], $0xffff  }
0x39: {  	v27 =	vor.u32 s29, v0;
	v5 =	vld.idx.msk [tilespmem:v5+s12+$0x0], $0xffff  }
0x3a: {  	v4 =	vld.idx.msk [tilespmem:v12+s13+$0x0], $0xffff  }
0x3b: {  	s25 =	sadd.s32 $0x16, s22;
	s24 =	sadd.s32 $0xC, s22;
	v22 =	vld.idx.msk [tilespmem:v13+s13+$0x0], $0xffff  }
0x3c: {  	v20 =	vor.u32 s25, v0;
	s25 =	sadd.s32 $0xD, s22;
	v33 =	vor.u32 s24, v0;
	v13 =	vld.idx.msk [tilespmem:v13+s12+$0x0], $0xffff  }
0x3d: {  	s26 =	sadd.s32 $0x17, s22;
	v34 =	vor.u32 s25, v0;
	v28 =	vld.idx.msk [tilespmem:v26+s13+$0x0], $0xffff  }
0x3e: {  	v24 =	vor.u32 s26, v0;
	s26 =	sadd.s32 $0xE, s22;
	v30 =	vld.idx.msk [tilespmem:v27+s13+$0x0], $0xffff  }
0x3f: {  	v36 =	vor.u32 s26, v0;
	v26 =	vld.idx.msk [tilespmem:v26+s12+$0x0], $0xffff  }
0x40: {  	s28 =	sadd.s32 $0xF, s22;
	v27 =	vld.idx.msk [tilespmem:v27+s12+$0x0], $0xffff  }
0x41: {  	s29 =	sadd.s32 $0x8, s22;
	v38 =	vor.u32 s28, v0;
	v35 =	vld.idx.msk [tilespmem:v33+s13+$0x0], $0xffff  }
0x42: {  	v39 =	vor.u32 s29, v0;
	v37 =	vld.idx.msk [tilespmem:v34+s13+$0x0], $0xffff  }
0x43: {  	v33 =	vld.idx.msk [tilespmem:v33+s12+$0x0], $0xffff  }
0x44: {  	s30 =	sadd.s32 $0x12, s22;
	v40 =	vld.idx.msk [tilespmem:v36+s13+$0x0], $0xffff  }
0x45: {  	v29 =	vor.u32 s30, v0;
	s30 =	sadd.s32 $0x9, s22;
	v34 =	vld.idx.msk [tilespmem:v34+s12+$0x0], $0xffff  }
0x46: {  	v41 =	vor.u32 s30, v0;
	v42 =	vld.idx.msk [tilespmem:v38+s13+$0x0], $0xffff  }
0x47: {  	s24 =	sadd.s32 $0xB, s22;
	v43 =	vld.idx.msk [tilespmem:v39+s13+$0x0], $0xffff  }
0x48: {  	s25 =	sadd.s32 $0x4, s22;
	v46 =	vor.u32 s24, v0;
	v39 =	vld.idx.msk [tilespmem:v39+s12+$0x0], $0xffff  }
0x49: {  	s26 =	sadd.s32 $0x5, s22;
	v47 =	vor.u32 s25, v0;
	v36 =	vld.idx.msk [tilespmem:v36+s12+$0x0], $0xffff  }
0x4a: {  	v49 =	vor.u32 s26, v0;
	v38 =	vld.idx.msk [tilespmem:v38+s12+$0x0], $0xffff  }
0x4b: {  	v45 =	vld.idx.msk [tilespmem:v41+s13+$0x0], $0xffff  }
0x4c: {  	s28 =	sadd.s32 $0x6, s22;
	v41 =	vld.idx.msk [tilespmem:v41+s12+$0x0], $0xffff  }
0x4d: {  	s29 =	sadd.s32 $0x7, s22;
	v52 =	vor.u32 s28, v0;
	v50 =	vld.idx.msk [tilespmem:v46+s13+$0x0], $0xffff  }
0x4e: {  	v54 =	vor.u32 s29, v0;
	v51 =	vld.idx.msk [tilespmem:v47+s13+$0x0], $0xffff  }
0x4f: {  	v53 =	vld.idx.msk [tilespmem:v49+s13+$0x0], $0xffff  }
0x50: {  	v47 =	vld.idx.msk [tilespmem:v47+s12+$0x0], $0xffff  }
0x51: {  	s30 =	sadd.s32 $0x1, s22;
	v49 =	vld.idx.msk [tilespmem:v49+s12+$0x0], $0xffff  }
0x52: {  	v57 =	vor.u32 s30, v0;
	v56 =	vld.idx.msk [tilespmem:v52+s13+$0x0], $0xffff  }
0x53: {  	v58 =	vld.idx.msk [tilespmem:v54+s13+$0x0], $0xffff  }
0x54: {  	v46 =	vld.idx.msk [tilespmem:v46+s12+$0x0], $0xffff  }
0x55: {  	v52 =	vld.idx.msk [tilespmem:v52+s12+$0x0], $0xffff  }
0x56: {  	v54 =	vld.idx.msk [tilespmem:v54+s12+$0x0], $0xffff  }
0x57: {  	v61 =	vld.idx.msk [tilespmem:v57+s13+$0x0], $0xffff  }
0x58: {  	v57 =	vld.idx.msk [tilespmem:v57+s12+$0x0], $0xffff  }
0x59: {  	v16 =	vld.idx.msk [tilespmem:v3+s3+$0x0], $0xffff  }
0x5a: {  	v18 =	vld.idx.msk [tilespmem:v7+s3+$0x0], $0xffff  }
0x5b: {  	v3 =	vld.idx.msk [tilespmem:v9+s13+$0x0], $0xffff  }
0x5c: {  	v21 =	vld.idx.msk [tilespmem:v10+s3+$0x0], $0xffff  }
0x5d: {  	v25 =	vld.idx.msk [tilespmem:v8+s3+$0x0], $0xffff  }
0x5e: {  	v10 =	vld.idx.msk [tilespmem:v9+s12+$0x0], $0xffff  }
0x5f: {  	v8 =	vld.idx.msk [tilespmem:v24+s13+$0x0], $0xffff  }
0x60: {  	v9 =	vld.idx.msk [tilespmem:v12+s12+$0x0], $0xffff  }
0x61: {  	v12 =	vld.idx.msk [tilespmem:v29+s13+$0x0], $0xffff  }
0x62: {  	v24 =	vld.idx.msk [tilespmem:v24+s12+$0x0], $0xffff  }
0x63: {  	v29 =	vld.idx.msk [tilespmem:v29+s12+$0x0], $0xffff  }
0x64: {  	v32 =	vld.idx.msk [tilespmem:v13+s3+$0x0], $0xffff  }
0x65: {  	v26 =	vld.idx.msk [tilespmem:v26+s3+$0x0], $0xffff  }
0x66: {  	v27 =	vld.idx.msk [tilespmem:v27+s3+$0x0], $0xffff  }
0x67: {  	s31 =	sadd.s32 $0x14, s22;
	v33 =	vld.idx.msk [tilespmem:v33+s3+$0x0], $0xffff  }
0x68: {  	v7 =	vor.u32 s31, v0;
	v34 =	vld.idx.msk [tilespmem:v34+s3+$0x0], $0xffff  }
0x69: {  	v39 =	vld.idx.msk [tilespmem:v39+s3+$0x0], $0xffff  }
0x6a: {  	s31 =	sadd.s32 $0x13, s22;
	v38 =	vld.idx.msk [tilespmem:v38+s3+$0x0], $0xffff  }
0x6b: {  	v31 =	vor.u32 s31, v0;
	s31 =	sadd.s32 $0xA, s22;
	v41 =	vld.idx.msk [tilespmem:v41+s3+$0x0], $0xffff  }
0x6c: {  	v44 =	vor.u32 s31, v0;
	s31 =	sadd.s32 $0x2, s22;
	v47 =	vld.idx.msk [tilespmem:v47+s3+$0x0], $0xffff  }
0x6d: {  	s22 =	sadd.s32 $0x3, s22;
	v60 =	vor.u32 s31, v0;
	v19 =	vld.idx.msk [tilespmem:v7+s13+$0x0], $0xffff  }
0x6e: {  	v62 =	vor.u32 s22, v0;
	v23 =	vld.idx.msk [tilespmem:v7+s12+$0x0], $0xffff  }
0x6f: {  	v11 =	vmul.f32 v16, v11;
	v16 =	vld.idx.msk [tilespmem:v55+s3+$0x0], $0xffff  }
0x70: {  	v14 =	vmul.f32 v18, v14;
	v18 =	vld.idx.msk [tilespmem:v57+s3+$0x0], $0xffff  }
0x71: {  	v13 =	vld.idx.msk [tilespmem:v31+s13+$0x0], $0xffff  }
0x72: {  	v63 =	vld.idx.msk [tilespmem:v60+s12+$0x0], $0xffff  }
0x73: {  	[tilespmem:$0x1FFE0] =	vst v1;
	v1 =	vld.idx.msk [tilespmem:v62+s12+$0x0], $0xffff  }
0x74: {  	v31 =	vld.idx.msk [tilespmem:v31+s12+$0x0], $0xffff  }
0x75: {  	v48 =	vld.idx.msk [tilespmem:v44+s13+$0x0], $0xffff  }
0x76: {  	v44 =	vld.idx.msk [tilespmem:v44+s12+$0x0], $0xffff  }
0x77: {  	v60 =	vld.idx.msk [tilespmem:v60+s13+$0x0], $0xffff  }
0x78: {  	v23 =	vld.idx.msk [tilespmem:v23+s3+$0x0], $0xffff  }
0x79: {  	v62 =	vld.idx.msk [tilespmem:v62+s13+$0x0], $0xffff  }
0x7a: {  	v15 =	vmul.f32 v21, v15;
	v21 =	vmul.f32 v32, v22;
	v22 =	vld.idx.msk [tilespmem:v63+s3+$0x0], $0xffff  }
0x7b: {  	v1 =	vld.idx.msk [tilespmem:v1+s3+$0x0], $0xffff  }
0x7c: {  	v17 =	vmul.f32 v25, v17;
	v25 =	vmul.f32 v27, v30;
	v30 =	vld.idx.msk [tilespmem:v54+s3+$0x0], $0xffff  }
0x7d: {  	v19 =	vmul.f32 v23, v19;
	v23 =	vmul.f32 v26, v28;
	v26 =	vld.idx.msk [tilespmem:v52+s3+$0x0], $0xffff  }
0x7e: {  	v49 =	vld.idx.msk [tilespmem:v49+s3+$0x0], $0xffff  }
0x7f: {  	v47 =	vmul.f32 v47, v51;
	v51 =	vld.idx.msk [tilespmem:v46+s3+$0x0], $0xffff;
	v16 =	vmul.f32 v16, v59  }
0x80: {  	v7 =	vld.idx.msk [tilespmem:v20+s13+$0x0], $0xffff;
	v22 =	vmul.f32 v22, v60;
	v1 =	vmul.f32 v1, v62  }
0x81: {  	v20 =	vld.idx.msk [tilespmem:v20+s12+$0x0], $0xffff;
	v18 =	vmul.f32 v18, v61;
	v30 =	vmul.f32 v30, v58  }
0x82: {  	v31 =	vld.idx.msk [tilespmem:v31+s3+$0x0], $0xffff;
	v26 =	vmul.f32 v26, v56;
	v22 =	vadd.f32 $0.0e+00, v22;
	v1 =	vadd.f32 $0.0e+00, v1  }
0x83: {  	v63 =	vmul.f32 v39, v43;
	v43 =	vmul.f32 v41, v45;
	v45 =	vld.idx.msk [tilespmem:v44+s3+$0x0], $0xffff  }
0x84: {  	v24 =	vld.idx.msk [tilespmem:v24+s3+$0x0], $0xffff;
	v22 =	vadd.f32 v26, v22;
	v1 =	vadd.f32 v30, v1;
	v26 =	vmul.f32 v51, v50  }
0x85: {  	v36 =	vld.idx.msk [tilespmem:v36+s3+$0x0], $0xffff;
	v49 =	vmul.f32 v49, v53;
	v16 =	vadd.f32 $0.0e+00, v16;
	v18 =	vadd.f32 $0.0e+00, v18  }
0x86: {  	v27 =	vmul.f32 v33, v35;
	v29 =	vld.idx.msk [tilespmem:v29+s3+$0x0], $0xffff;
	v1 =	vadd.f32 v26, v1;
	v26 =	vmul.f32 v38, v42  }
0x87: {  	v9 =	vld.idx.msk [tilespmem:v9+s3+$0x0], $0xffff;
	v16 =	vadd.f32 v47, v16;
	v18 =	vadd.f32 v49, v18;
	v28 =	vmul.f32 v34, v37  }
0x88: {  	v13 =	vmul.f32 v31, v13;
	v34 =	vmul.f32 v45, v48;
	v1 =	vadd.f32 v26, v1  }
0x89: {  	v20 =	vld.idx.msk [tilespmem:v20+s3+$0x0], $0xffff;
	v8 =	vmul.f32 v24, v8;
	v16 =	vadd.f32 v63, v16;
	v18 =	vadd.f32 v43, v18  }
0x8a: {  	v30 =	vmul.f32 v36, v40;
	v22 =	vadd.f32 v34, v22;
	v1 =	vadd.f32 v13, v1  }
0x8b: {  	v10 =	vld.idx.msk [tilespmem:v10+s3+$0x0], $0xffff;
	v12 =	vmul.f32 v29, v12;
	v16 =	vadd.f32 v27, v16;
	v18 =	vadd.f32 v28, v18  }
0x8c: {  	v6 =	vld.idx.msk [tilespmem:v6+s3+$0x0], $0xffff;
	v4 =	vmul.f32 v9, v4;
	v22 =	vadd.f32 v30, v22;
	v1 =	vadd.f32 v8, v1  }
0x8d: {  	v5 =	vld.idx.msk [tilespmem:v5+s3+$0x0], $0xffff;
	v16 =	vadd.f32 v23, v16;
	v18 =	vadd.f32 v25, v18  }
0x8e: {  	v7 =	vmul.f32 v20, v7;
	v12 =	vadd.f32 v12, v22;
	v1 =	vadd.f32 v4, v1;
	v4 =	vld [tilespmem:$0x1FFE0]  }
0x8f: {  	v13 =	vadd.f32 v19, v16  }
0x90: {  	v3 =	vmul.f32 v10, v3;
	v16 =	vadd.f32 v21, v18;
	v7 =	vadd.f32 v7, v12;
	_ =	sdelay $0x1  }
0x91: {  	v2 =	vmul.f32 v6, v2;
	v9 =	vadd.f32 v17, v16;
	v3 =	vadd.f32 v3, v7  }
0x92: {  	v8 =	vadd.f32 v15, v13;
	v4 =	vmul.f32 v5, v4  }
0x93: {  	v6 =	vadd.f32 v14, v9;
	v2 =	vadd.f32 v2, v3  }
0x94: {  	v5 =	vadd.f32 v11, v8;
	v1 =	vadd.f32 v4, v1;
	_ =	sdelay $0x1  }
0x95: {  	v3 =	vadd.f32 v6, v5;
	v1 =	vadd.f32 v1, v2;
	_ =	sdelay $0x1  }
0x96: {  	v1 =	vadd.f32 v1, v3;
	_ =	sdelay $0x1  }
0x97: {  	v1 =	vsub.f32 $0.0e+00, v1;
	_ =	sdelay $0x1  }
0x98: {  	v1 =	vmul.f32 $1.442695020e+00, v1;
	_ =	sdelay $0x1  }
0x99: {  	(erf) = vpow2.f32 v1;
	_ =	sdelay $0x4  }
0x9a: {  	s23 =	rddreg [dreg:$0x3]  }
0x9b: {  	s23 =	sadd.s32 $0x200, s23  }
0x9c: {  	s22 =	sadd.s32 $0x1C, s23  }
0x9d: {  	s20 =	smul.u32 $0x280, s20;
	v1 =	vor.u32 s22, v0  }
0x9e: {  	s24 =	sadd.s32 $0x1D, s23;
	v2 =	vpop (erf)  }
0x9f: {  	s20 =	sshrl.u32 s20, $0x2;
	v3 =	vor.u32 s24, v0;
	v2 =	vsub.f32 $1.000000000e+00, v2  }
0xa0: {  	s20 =	sor.u32 $0x1D700, s20;
	s25 =	sadd.s32 $0x1E, s23  }
0xa1: {  	s26 =	sadd.s32 $0x1F, s23;
	v5 =	vor.u32 s25, v0;
	[tilespmem:s20+$0x0] =	vst v2  }
0xa2: {  	s28 =	sadd.s32 $0x18, s23;
	v7 =	vor.u32 s26, v0;
	v4 =	vld.idx.msk [tilespmem:v1+s12+$0x0], $0xffff  }
0xa3: {  	s29 =	sadd.s32 $0x19, s23;
	v6 =	vor.u32 s28, v0;
	v11 =	vld.idx.msk [tilespmem:v1+s13+$0x0], $0xffff  }
0xa4: {  	v9 =	vor.u32 s29, v0;
	v8 =	vld.idx.msk [tilespmem:v3+s12+$0x0], $0xffff  }
0xa5: {  	s30 =	sadd.s32 $0x1A, s23;
	v12 =	vld.idx.msk [tilespmem:v3+s13+$0x0], $0xffff  }
0xa6: {  	v10 =	vor.u32 s30, v0;
	v2 =	vld.idx.msk [tilespmem:v5+s13+$0x0], $0xffff  }
0xa7: {  	v1 =	vld.idx.msk [tilespmem:v7+s13+$0x0], $0xffff  }
0xa8: {  	v13 =	vld.idx.msk [tilespmem:v6+s13+$0x0], $0xffff  }
0xa9: {  	s25 =	sadd.s32 $0x15, s23;
	v15 =	vld.idx.msk [tilespmem:v9+s13+$0x0], $0xffff  }
0xaa: {  	s26 =	sadd.s32 $0x16, s23;
	v20 =	vor.u32 s25, v0;
	v14 =	vld.idx.msk [tilespmem:v6+s12+$0x0], $0xffff  }
0xab: {  	v21 =	vor.u32 s26, v0;
	v3 =	vld.idx.msk [tilespmem:v10+s13+$0x0], $0xffff  }
0xac: {  	v9 =	vld.idx.msk [tilespmem:v9+s12+$0x0], $0xffff  }
0xad: {  	s29 =	sadd.s32 $0x10, s23;
	v6 =	vld.idx.msk [tilespmem:v5+s12+$0x0], $0xffff  }
0xae: {  	s30 =	sadd.s32 $0x11, s23;
	v26 =	vor.u32 s29, v0;
	v5 =	vld.idx.msk [tilespmem:v7+s12+$0x0], $0xffff  }
0xaf: {  	v31 =	vor.u32 s30, v0;
	v22 =	vld.idx.msk [tilespmem:v20+s13+$0x0], $0xffff  }
0xb0: {  	v7 =	vld.idx.msk [tilespmem:v21+s13+$0x0], $0xffff  }
0xb1: {  	v20 =	vld.idx.msk [tilespmem:v20+s12+$0x0], $0xffff  }
0xb2: {  	s25 =	sadd.s32 $0xC, s23;
	v10 =	vld.idx.msk [tilespmem:v10+s12+$0x0], $0xffff  }
0xb3: {  	s26 =	sadd.s32 $0xD, s23;
	v54 =	vor.u32 s25, v0;
	v27 =	vld.idx.msk [tilespmem:v26+s13+$0x0], $0xffff  }
0xb4: {  	v55 =	vor.u32 s26, v0;
	v28 =	vld.idx.msk [tilespmem:v31+s13+$0x0], $0xffff  }
0xb5: {  	s31 =	sadd.s32 $0x1B, s23;
	v26 =	vld.idx.msk [tilespmem:v26+s12+$0x0], $0xffff  }
0xb6: {  	v16 =	vor.u32 s31, v0;
	s31 =	sadd.s32 $0x12, s23;
	v31 =	vld.idx.msk [tilespmem:v31+s12+$0x0], $0xffff  }
0xb7: {  	s30 =	sadd.s32 $0x8, s23;
	v52 =	vor.u32 s31, v0;
	v21 =	vld.idx.msk [tilespmem:v21+s12+$0x0], $0xffff  }
0xb8: {  	v57 =	vor.u32 s30, v0;
	s31 =	sadd.s32 $0x9, s23;
	v33 =	vld.idx.msk [tilespmem:v54+s13+$0x0], $0xffff  }
0xb9: {  	v59 =	vor.u32 s31, v0;
	v34 =	vld.idx.msk [tilespmem:v55+s13+$0x0], $0xffff  }
0xba: {  	v37 =	vld.idx.msk [tilespmem:v54+s12+$0x0], $0xffff  }
0xbb: {  	s29 =	sadd.s32 $0xF, s23;
	s28 =	sadd.s32 $0x17, s23;
	v58 =	vld.idx.msk [tilespmem:v55+s12+$0x0], $0xffff  }
0xbc: {  	v56 =	vor.u32 s29, v0;
	s26 =	sadd.s32 $0x4, s23;
	v25 =	vor.u32 s28, v0;
	s28 =	sadd.s32 $0xE, s23;
	v32 =	vld.idx.msk [tilespmem:v52+s12+$0x0], $0xffff  }
0xbd: {  	v62 =	vor.u32 s26, v0;
	v42 =	vor.u32 s28, v0;
	s28 =	sadd.s32 $0x5, s23;
	v39 =	vld.idx.msk [tilespmem:v57+s13+$0x0], $0xffff  }
0xbe: {  	v63 =	vor.u32 s28, v0;
	v40 =	vld.idx.msk [tilespmem:v59+s13+$0x0], $0xffff  }
0xbf: {  	v61 =	vld.idx.msk [tilespmem:v57+s12+$0x0], $0xffff  }
0xc0: {  	v46 =	vld.idx.msk [tilespmem:v59+s12+$0x0], $0xffff  }
0xc1: {  	v43 =	vld.idx.msk [tilespmem:v56+s12+$0x0], $0xffff  }
0xc2: {  	v45 =	vld.idx.msk [tilespmem:v62+s13+$0x0], $0xffff  }
0xc3: {  	v47 =	vld.idx.msk [tilespmem:v63+s13+$0x0], $0xffff  }
0xc4: {  	v54 =	vld.idx.msk [tilespmem:v62+s12+$0x0], $0xffff  }
0xc5: {  	v55 =	vld.idx.msk [tilespmem:v63+s12+$0x0], $0xffff  }
0xc6: {  	v17 =	vld.idx.msk [tilespmem:v4+s3+$0x0], $0xffff  }
0xc7: {  	v18 =	vld.idx.msk [tilespmem:v8+s3+$0x0], $0xffff  }
0xc8: {  	v4 =	vld.idx.msk [tilespmem:v16+s13+$0x0], $0xffff  }
0xc9: {  	v23 =	vld.idx.msk [tilespmem:v14+s3+$0x0], $0xffff  }
0xca: {  	v24 =	vld.idx.msk [tilespmem:v9+s3+$0x0], $0xffff  }
0xcb: {  	v9 =	vld.idx.msk [tilespmem:v16+s12+$0x0], $0xffff  }
0xcc: {  	v30 =	vld.idx.msk [tilespmem:v20+s3+$0x0], $0xffff  }
0xcd: {  	s24 =	sadd.s32 $0x14, s23;
	v20 =	vld.idx.msk [tilespmem:v25+s12+$0x0], $0xffff  }
0xce: {  	v8 =	vor.u32 s24, v0;
	v35 =	vld.idx.msk [tilespmem:v26+s3+$0x0], $0xffff  }
0xcf: {  	v38 =	vld.idx.msk [tilespmem:v31+s3+$0x0], $0xffff  }
0xd0: {  	s29 =	sadd.s32 $0x6, s23;
	v26 =	vld.idx.msk [tilespmem:v56+s13+$0x0], $0xffff  }
0xd1: {  	v51 =	vor.u32 s29, v0;
	v41 =	vld.idx.msk [tilespmem:v37+s3+$0x0], $0xffff  }
0xd2: {  	v44 =	vld.idx.msk [tilespmem:v58+s3+$0x0], $0xffff  }
0xd3: {  	v14 =	vld.idx.msk [tilespmem:v8+s12+$0x0], $0xffff  }
0xd4: {  	v48 =	vld.idx.msk [tilespmem:v61+s3+$0x0], $0xffff  }
0xd5: {  	v49 =	vld.idx.msk [tilespmem:v46+s3+$0x0], $0xffff  }
0xd6: {  	v46 =	vld.idx.msk [tilespmem:v51+s13+$0x0], $0xffff  }
0xd7: {  	s24 =	sadd.s32 $0x13, s23;
	v19 =	vld.idx.msk [tilespmem:v8+s13+$0x0], $0xffff  }
0xd8: {  	v53 =	vor.u32 s24, v0;
	v8 =	vld.idx.msk [tilespmem:v25+s13+$0x0], $0xffff  }
0xd9: {  	s24 =	sadd.s32 $0xA, s23;
	v25 =	vld.idx.msk [tilespmem:v42+s13+$0x0], $0xffff  }
0xda: {  	v60 =	vor.u32 s24, v0;
	v42 =	vld.idx.msk [tilespmem:v42+s12+$0x0], $0xffff  }
0xdb: {  	s25 =	sadd.s32 $0xB, s23;
	v29 =	vld.idx.msk [tilespmem:v14+s3+$0x0], $0xffff  }
0xdc: {  	v14 =	vld.idx.msk [tilespmem:v52+s13+$0x0], $0xffff;
	v52 =	vor.u32 s25, v0  }
0xdd: {  	v16 =	vld.idx.msk [tilespmem:v53+s13+$0x0], $0xffff  }
0xde: {  	s21 =	smul.u32 $0x280, s21;
	v31 =	vld.idx.msk [tilespmem:v53+s12+$0x0], $0xffff  }
0xdf: {  	v36 =	vld.idx.msk [tilespmem:v60+s13+$0x0], $0xffff  }
0xe0: {  	s21 =	sshrl.u32 s21, $0x2;
	s30 =	sadd.s32 $0x7, s23;
	s31 =	sadd.s32 $0x1, s23;
	v50 =	vld.idx.msk [tilespmem:v60+s12+$0x0], $0xffff  }
0xe1: {  	s21 =	sor.u32 $0x1D700, s21;
	s22 =	simm.s32 $0x400;
	v57 =	vor.u32 s31, v0;
	[tilespmem:$0x1FFF0] =	vst v1;
	v56 =	vor.u32 s23, v0;
	v53 =	vor.u32 s30, v0;
	v37 =	vld.idx.msk [tilespmem:v52+s13+$0x0], $0xffff  }
.LBB2_3:
0xe2: {  	_ =	sdelay $0x3  }
0xe3: {  	v58 =	vld.idx.msk [tilespmem:v53+s13+$0x0], $0xffff  }
0xe4: {  	v52 =	vld.idx.msk [tilespmem:v52+s12+$0x0], $0xffff;
	s24 =	sadd.s32 $0x2, s23  }
0xe5: {  	v59 =	vld.idx.msk [tilespmem:v56+s13+$0x0], $0xffff;
	s25 =	sadd.s32 $0x3, s23;
	v60 =	vor.u32 s24, v0  }
0xe6: {  	v61 =	vld.idx.msk [tilespmem:v57+s13+$0x0], $0xffff;
	v62 =	vor.u32 s25, v0  }
0xe7: {  	v56 =	vld.idx.msk [tilespmem:v56+s12+$0x0], $0xffff  }
0xe8: {  	v57 =	vld.idx.msk [tilespmem:v57+s12+$0x0], $0xffff  }
0xe9: {  	v51 =	vld.idx.msk [tilespmem:v51+s12+$0x0], $0xffff  }
0xea: {  	v63 =	vld.idx.msk [tilespmem:v60+s12+$0x0], $0xffff  }
0xeb: {  	v1 =	vld.idx.msk [tilespmem:v62+s12+$0x0], $0xffff  }
0xec: {  	v53 =	vld.idx.msk [tilespmem:v53+s12+$0x0], $0xffff  }
0xed: {  	v12 =	vmul.f32 v18, v12;
	v18 =	vmul.f32 v29, v19;
	v55 =	vld.idx.msk [tilespmem:v55+s3+$0x0], $0xffff  }
0xee: {  	v19 =	vmul.f32 v30, v22;
	v30 =	vmul.f32 v48, v39;
	v48 =	vld.idx.msk [tilespmem:v50+s3+$0x0], $0xffff  }
0xef: {  	v60 =	vld.idx.msk [tilespmem:v60+s13+$0x0], $0xffff  }
0xf0: {  	v62 =	vld.idx.msk [tilespmem:v62+s13+$0x0], $0xffff  }
0xf1: {  	v56 =	vld.idx.msk [tilespmem:v56+s3+$0x0], $0xffff  }
0xf2: {  	v11 =	vmul.f32 v17, v11;
	v17 =	vld.idx.msk [tilespmem:v63+s3+$0x0], $0xffff  }
0xf3: {  	v1 =	vld.idx.msk [tilespmem:v1+s3+$0x0], $0xffff  }
0xf4: {  	v22 =	vld.idx.msk [tilespmem:v51+s3+$0x0], $0xffff  }
0xf5: {  	v13 =	vmul.f32 v23, v13;
	v23 =	vmul.f32 v35, v27;
	v27 =	vld.idx.msk [tilespmem:v53+s3+$0x0], $0xffff  }
0xf6: {  	v15 =	vmul.f32 v24, v15;
	v24 =	vmul.f32 v38, v28;
	v57 =	vld.idx.msk [tilespmem:v57+s3+$0x0], $0xffff  }
0xf7: {  	v28 =	vmul.f32 v41, v33;
	v51 =	vld.idx.msk [tilespmem:v52+s3+$0x0], $0xffff;
	v50 =	vmul.f32 v55, v47  }
0xf8: {  	v54 =	vld.idx.msk [tilespmem:v54+s3+$0x0], $0xffff;
	v17 =	vmul.f32 v17, v60;
	v1 =	vmul.f32 v1, v62  }
0xf9: {  	v43 =	vld.idx.msk [tilespmem:v43+s3+$0x0], $0xffff;
	v52 =	vmul.f32 v56, v59;
	v22 =	vmul.f32 v22, v46  }
0xfa: {  	v27 =	vmul.f32 v27, v58;
	v17 =	vadd.f32 $0.0e+00, v17;
	v1 =	vadd.f32 $0.0e+00, v1  }
0xfb: {  	v31 =	vld.idx.msk [tilespmem:v31+s3+$0x0], $0xffff;
	v53 =	vmul.f32 v57, v61;
	v63 =	vmul.f32 v49, v40  }
0xfc: {  	v42 =	vld.idx.msk [tilespmem:v42+s3+$0x0], $0xffff;
	v17 =	vadd.f32 v22, v17;
	v1 =	vadd.f32 v27, v1;
	v22 =	vmul.f32 v51, v37  }
0xfd: {  	v20 =	vld.idx.msk [tilespmem:v20+s3+$0x0], $0xffff;
	v49 =	vmul.f32 v54, v45;
	v40 =	vadd.f32 $0.0e+00, v52;
	v41 =	vadd.f32 $0.0e+00, v53  }
0xfe: {  	v32 =	vld.idx.msk [tilespmem:v32+s3+$0x0], $0xffff;
	v1 =	vadd.f32 v22, v1;
	v22 =	vmul.f32 v43, v26  }
0xff: {  	v29 =	vmul.f32 v44, v34;
	v9 =	vld.idx.msk [tilespmem:v9+s3+$0x0], $0xffff;
	v35 =	vadd.f32 v49, v40;
	v38 =	vadd.f32 v50, v41  }
0x100: {  	v34 =	vmul.f32 v48, v36;
	v16 =	vmul.f32 v31, v16;
	v1 =	vadd.f32 v22, v1  }
0x101: {  	v21 =	vld.idx.msk [tilespmem:v21+s3+$0x0], $0xffff;
	v25 =	vmul.f32 v42, v25;
	v27 =	vadd.f32 v30, v35;
	v30 =	vadd.f32 v63, v38  }
0x102: {  	v8 =	vmul.f32 v20, v8;
	v17 =	vadd.f32 v34, v17;
	v1 =	vadd.f32 v16, v1  }
0x103: {  	v10 =	vld.idx.msk [tilespmem:v10+s3+$0x0], $0xffff;
	v14 =	vmul.f32 v32, v14;
	v26 =	vadd.f32 v28, v27;
	v27 =	vadd.f32 v29, v30  }
0x104: {  	v6 =	vld.idx.msk [tilespmem:v6+s3+$0x0], $0xffff;
	v4 =	vmul.f32 v9, v4;
	v17 =	vadd.f32 v25, v17;
	v1 =	vadd.f32 v8, v1  }
0x105: {  	v5 =	vld.idx.msk [tilespmem:v5+s3+$0x0], $0xffff;
	v22 =	vadd.f32 v23, v26;
	v23 =	vadd.f32 v24, v27  }
0x106: {  	v7 =	vmul.f32 v21, v7;
	v14 =	vadd.f32 v14, v17;
	v1 =	vadd.f32 v4, v1;
	v4 =	vld [tilespmem:$0x1FFF0];
	_ =	sdelay $0x1  }
0x107: {  	v3 =	vmul.f32 v10, v3;
	v17 =	vadd.f32 v19, v23;
	v7 =	vadd.f32 v7, v14  }
0x108: {  	v16 =	vadd.f32 v18, v22  }
0x109: {  	v2 =	vmul.f32 v6, v2;
	v9 =	vadd.f32 v15, v17;
	v3 =	vadd.f32 v3, v7  }
0x10a: {  	v8 =	vadd.f32 v13, v16;
	v4 =	vmul.f32 v5, v4  }
0x10b: {  	v6 =	vadd.f32 v12, v9;
	v2 =	vadd.f32 v2, v3  }
0x10c: {  	v5 =	vadd.f32 v11, v8;
	v1 =	vadd.f32 v4, v1;
	_ =	sdelay $0x1  }
0x10d: {  	v3 =	vadd.f32 v6, v5;
	v1 =	vadd.f32 v1, v2;
	_ =	sdelay $0x1  }
0x10e: {  	v1 =	vadd.f32 v1, v3;
	_ =	sdelay $0x1  }
0x10f: {  	v1 =	vsub.f32 $0.0e+00, v1;
	_ =	sdelay $0x1  }
0x110: {  	v1 =	vmul.f32 $1.442695020e+00, v1;
	_ =	sdelay $0x1  }
0x111: {  	(erf) = vpow2.f32 v1;
	_ =	sdelay $0x4  }
0x112: {  	s26 =	rddreg [dreg:$0x3]  }
0x113: {  	s23 =	sadd.s32 s22, s26  }
0x114: {  	s28 =	sadd.s32 $0x1C, s23  }
0x115: {  	v1 =	vor.u32 s28, v0  }
0x116: {  	s29 =	sadd.s32 $0x1D, s23;
	v2 =	vpop (erf)  }
0x117: {  	v3 =	vor.u32 s29, v0;
	v2 =	vsub.f32 $1.000000000e+00, v2  }
0x118: {  	s20 =	sadd.s32 $0x10, s20;
	s30 =	sadd.s32 $0x1E, s23  }
0x119: {  	s31 =	sadd.s32 $0x1F, s23;
	v5 =	vor.u32 s30, v0;
	[tilespmem:s20+$0x0] =	vst v2  }
0x11a: {  	s25 =	sadd.s32 $0x18, s23;
	v7 =	vor.u32 s31, v0;
	v4 =	vld.idx.msk [tilespmem:v1+s12+$0x0], $0xffff  }
0x11b: {  	v6 =	vor.u32 s25, v0;
	s25 =	sadd.s32 $0x19, s23;
	v11 =	vld.idx.msk [tilespmem:v1+s13+$0x0], $0xffff  }
0x11c: {  	v8 =	vor.u32 s25, v0;
	v1 =	vld.idx.msk [tilespmem:v3+s12+$0x0], $0xffff  }
0x11d: {  	v12 =	vld.idx.msk [tilespmem:v3+s13+$0x0], $0xffff  }
0x11e: {  	v2 =	vld.idx.msk [tilespmem:v5+s13+$0x0], $0xffff  }
0x11f: {  	v3 =	vld.idx.msk [tilespmem:v7+s13+$0x0], $0xffff  }
0x120: {  	s30 =	sadd.s32 $0x15, s23;
	v13 =	vld.idx.msk [tilespmem:v6+s13+$0x0], $0xffff  }
0x121: {  	s31 =	sadd.s32 $0x16, s23;
	v16 =	vor.u32 s30, v0;
	v15 =	vld.idx.msk [tilespmem:v8+s13+$0x0], $0xffff  }
0x122: {  	s26 =	sadd.s32 $0x1A, s23;
	v20 =	vor.u32 s31, v0;
	v10 =	vld.idx.msk [tilespmem:v6+s12+$0x0], $0xffff  }
0x123: {  	v9 =	vor.u32 s26, v0;
	s26 =	sadd.s32 $0x10, s23;
	s28 =	sadd.s32 $0x1B, s23;
	v8 =	vld.idx.msk [tilespmem:v8+s12+$0x0], $0xffff  }
0x124: {  	v21 =	vor.u32 s26, v0;
	v14 =	vor.u32 s28, v0;
	s28 =	sadd.s32 $0x11, s23;
	v6 =	vld.idx.msk [tilespmem:v5+s12+$0x0], $0xffff  }
0x125: {  	v26 =	vor.u32 s28, v0;
	v5 =	vld.idx.msk [tilespmem:v7+s12+$0x0], $0xffff  }
0x126: {  	s31 =	sadd.s32 $0xC, s23;
	s25 =	sadd.s32 $0x17, s23;
	v22 =	vld.idx.msk [tilespmem:v16+s13+$0x0], $0xffff  }
0x127: {  	v55 =	vor.u32 s31, v0;
	v25 =	vor.u32 s25, v0;
	s25 =	sadd.s32 $0xD, s23;
	v7 =	vld.idx.msk [tilespmem:v20+s13+$0x0], $0xffff  }
0x128: {  	s30 =	sadd.s32 $0x13, s23;
	v56 =	vor.u32 s25, v0;
	v16 =	vld.idx.msk [tilespmem:v16+s12+$0x0], $0xffff  }
0x129: {  	v54 =	vor.u32 s30, v0;
	s30 =	sadd.s32 $0x9, s23;
	v27 =	vld.idx.msk [tilespmem:v21+s13+$0x0], $0xffff  }
0x12a: {  	v59 =	vor.u32 s30, v0;
	v28 =	vld.idx.msk [tilespmem:v26+s13+$0x0], $0xffff  }
0x12b: {  	s31 =	sadd.s32 $0xA, s23;
	v26 =	vld.idx.msk [tilespmem:v26+s12+$0x0], $0xffff  }
0x12c: {  	v60 =	vor.u32 s31, v0;
	v33 =	vld.idx.msk [tilespmem:v55+s13+$0x0], $0xffff  }
0x12d: {  	s26 =	sadd.s32 $0xE, s23;
	s28 =	sadd.s32 $0xF, s23;
	v34 =	vld.idx.msk [tilespmem:v56+s13+$0x0], $0xffff  }
0x12e: {  	v42 =	vor.u32 s26, v0;
	s26 =	sadd.s32 $0x4, s23;
	v57 =	vor.u32 s28, v0;
	v37 =	vld.idx.msk [tilespmem:v56+s12+$0x0], $0xffff  }
0x12f: {  	v61 =	vor.u32 s26, v0;
	s29 =	sadd.s32 $0x14, s23;
	v40 =	vld.idx.msk [tilespmem:v59+s13+$0x0], $0xffff  }
0x130: {  	v18 =	vld.idx.msk [tilespmem:v1+s3+$0x0], $0xffff;
	v1 =	vor.u32 s29, v0  }
0x131: {  	s28 =	sadd.s32 $0x5, s23;
	v36 =	vld.idx.msk [tilespmem:v60+s13+$0x0], $0xffff  }
0x132: {  	v63 =	vor.u32 s28, v0;
	v62 =	vld.idx.msk [tilespmem:v59+s12+$0x0], $0xffff  }
0x133: {  	v43 =	vld.idx.msk [tilespmem:v57+s12+$0x0], $0xffff  }
0x134: {  	v45 =	vld.idx.msk [tilespmem:v61+s13+$0x0], $0xffff  }
0x135: {  	v19 =	vld.idx.msk [tilespmem:v1+s13+$0x0], $0xffff  }
0x136: {  	v1 =	vld.idx.msk [tilespmem:v1+s12+$0x0], $0xffff  }
0x137: {  	v47 =	vld.idx.msk [tilespmem:v63+s13+$0x0], $0xffff  }
0x138: {  	v50 =	vld.idx.msk [tilespmem:v60+s12+$0x0], $0xffff  }
0x139: {  	[tilespmem:$0x1FFF0] =	vst v3;
	v3 =	vld.idx.msk [tilespmem:v9+s13+$0x0], $0xffff  }
0x13a: {  	v17 =	vld.idx.msk [tilespmem:v4+s3+$0x0], $0xffff  }
0x13b: {  	v4 =	vld.idx.msk [tilespmem:v14+s13+$0x0], $0xffff  }
0x13c: {  	v23 =	vld.idx.msk [tilespmem:v10+s3+$0x0], $0xffff  }
0x13d: {  	v24 =	vld.idx.msk [tilespmem:v8+s3+$0x0], $0xffff  }
0x13e: {  	v29 =	vld.idx.msk [tilespmem:v1+s3+$0x0], $0xffff  }
0x13f: {  	v1 =	vld.idx.msk [tilespmem:v21+s12+$0x0], $0xffff  }
0x140: {  	v10 =	vld.idx.msk [tilespmem:v9+s12+$0x0], $0xffff  }
0x141: {  	v8 =	vld.idx.msk [tilespmem:v25+s13+$0x0], $0xffff  }
0x142: {  	v9 =	vld.idx.msk [tilespmem:v14+s12+$0x0], $0xffff  }
0x143: {  	v30 =	vld.idx.msk [tilespmem:v16+s3+$0x0], $0xffff  }
0x144: {  	s25 =	sadd.s32 $0xB, s23;
	v16 =	vld.idx.msk [tilespmem:v54+s13+$0x0], $0xffff  }
0x145: {  	v52 =	vor.u32 s25, v0;
	v38 =	vld.idx.msk [tilespmem:v26+s3+$0x0], $0xffff  }
0x146: {  	s29 =	sadd.s32 $0x12, s23;
	v26 =	vld.idx.msk [tilespmem:v57+s13+$0x0], $0xffff  }
0x147: {  	v31 =	vor.u32 s29, v0;
	v35 =	vld.idx.msk [tilespmem:v1+s3+$0x0], $0xffff  }
0x148: {  	v1 =	vld.idx.msk [tilespmem:v55+s12+$0x0], $0xffff  }
0x149: {  	v44 =	vld.idx.msk [tilespmem:v37+s3+$0x0], $0xffff  }
0x14a: {  	v37 =	vld.idx.msk [tilespmem:v52+s13+$0x0], $0xffff  }
0x14b: {  	v49 =	vld.idx.msk [tilespmem:v62+s3+$0x0], $0xffff;
	s29 =	sadd.s32 $0x8, s23  }
0x14c: {  	v58 =	vor.u32 s29, v0;
	v14 =	vld.idx.msk [tilespmem:v31+s13+$0x0], $0xffff  }
0x14d: {  	s29 =	sadd.s32 $0x6, s23;
	v32 =	vld.idx.msk [tilespmem:v31+s12+$0x0], $0xffff  }
0x14e: {  	v51 =	vor.u32 s29, v0;
	v31 =	vld.idx.msk [tilespmem:v54+s12+$0x0], $0xffff  }
0x14f: {  	v54 =	vld.idx.msk [tilespmem:v61+s12+$0x0], $0xffff  }
0x150: {  	v41 =	vld.idx.msk [tilespmem:v1+s3+$0x0], $0xffff  }
0x151: {  	v1 =	vld.idx.msk [tilespmem:v58+s12+$0x0], $0xffff  }
0x152: {  	v39 =	vld.idx.msk [tilespmem:v58+s13+$0x0], $0xffff  }
0x153: {  	v46 =	vld.idx.msk [tilespmem:v51+s13+$0x0], $0xffff  }
0x154: {  	p1 =	sne.s32 s22, $0x1200;
	v21 =	vld.idx.msk [tilespmem:v20+s12+$0x0], $0xffff  }
.Ltmp0:
0x155: {  	v20 =	vld.idx.msk [tilespmem:v25+s12+$0x0], $0xffff;
	(pc) =	sbr.rel @p1 .LBB2_3-.Ltmp0, $4  }
0x156: {  	v25 =	vld.idx.msk [tilespmem:v42+s13+$0x0], $0xffff  }
0x157: {  	v42 =	vld.idx.msk [tilespmem:v42+s12+$0x0], $0xffff  }
0x158: {  	s31 =	sadd.s32 $0x1, s23;
	s30 =	sadd.s32 $0x7, s23;
	v55 =	vld.idx.msk [tilespmem:v63+s12+$0x0], $0xffff  }
0x159: {  	s22 =	sadd.s32 $0x200, s22;
	v53 =	vor.u32 s30, v0;
	v56 =	vor.u32 s23, v0;
	v57 =	vor.u32 s31, v0;
	v48 =	vld.idx.msk [tilespmem:v1+s3+$0x0], $0xffff  }
0x15a: {  	_ =	sdelay $0x3  }
0x15b: {  	v1 =	vld.idx.msk [tilespmem:v53+s13+$0x0], $0xffff  }
0x15c: {  	v52 =	vld.idx.msk [tilespmem:v52+s12+$0x0], $0xffff  }
0x15d: {  	v58 =	vld.idx.msk [tilespmem:v56+s13+$0x0], $0xffff  }
0x15e: {  	s22 =	sadd.s32 $0x2, s23;
	v54 =	vld.idx.msk [tilespmem:v54+s3+$0x0], $0xffff  }
0x15f: {  	s31 =	sadd.s32 $0x3, s23;
	v60 =	vld.idx.msk [tilespmem:v57+s13+$0x0], $0xffff;
	v59 =	vor.u32 s22, v0  }
0x160: {  	v56 =	vld.idx.msk [tilespmem:v56+s12+$0x0], $0xffff;
	v61 =	vor.u32 s31, v0  }
0x161: {  	v57 =	vld.idx.msk [tilespmem:v57+s12+$0x0], $0xffff  }
0x162: {  	v51 =	vld.idx.msk [tilespmem:v51+s12+$0x0], $0xffff  }
0x163: {  	v53 =	vld.idx.msk [tilespmem:v53+s12+$0x0], $0xffff  }
0x164: {  	v62 =	vld.idx.msk [tilespmem:v59+s12+$0x0], $0xffff  }
0x165: {  	v63 =	vld.idx.msk [tilespmem:v61+s12+$0x0], $0xffff  }
0x166: {  	v43 =	vld.idx.msk [tilespmem:v43+s3+$0x0], $0xffff  }
0x167: {  	v55 =	vld.idx.msk [tilespmem:v55+s3+$0x0], $0xffff  }
0x168: {  	v59 =	vld.idx.msk [tilespmem:v59+s13+$0x0], $0xffff  }
0x169: {  	v61 =	vld.idx.msk [tilespmem:v61+s13+$0x0], $0xffff  }
0x16a: {  	v11 =	vmul.f32 v17, v11;
	v12 =	vmul.f32 v18, v12;
	v17 =	vld.idx.msk [tilespmem:v56+s3+$0x0], $0xffff  }
0x16b: {  	v13 =	vmul.f32 v23, v13;
	v15 =	vmul.f32 v24, v15;
	v18 =	vld.idx.msk [tilespmem:v57+s3+$0x0], $0xffff  }
0x16c: {  	v19 =	vmul.f32 v29, v19;
	v22 =	vmul.f32 v30, v22;
	v23 =	vld.idx.msk [tilespmem:v62+s3+$0x0], $0xffff  }
0x16d: {  	v24 =	vmul.f32 v35, v27;
	v27 =	vmul.f32 v38, v28;
	v56 =	vld.idx.msk [tilespmem:v63+s3+$0x0], $0xffff  }
0x16e: {  	v29 =	vmul.f32 v41, v33;
	v26 =	vmul.f32 v43, v26;
	v62 =	vld.idx.msk [tilespmem:v51+s3+$0x0], $0xffff  }
0x16f: {  	v63 =	vmul.f32 v48, v39;
	v48 =	vmul.f32 v49, v40;
	v49 =	vld.idx.msk [tilespmem:v53+s3+$0x0], $0xffff  }
0x170: {  	v17 =	vmul.f32 v17, v58;
	v51 =	vmul.f32 v54, v45;
	v54 =	vld.idx.msk [tilespmem:v50+s3+$0x0], $0xffff  }
0x171: {  	v18 =	vmul.f32 v18, v60;
	v53 =	vmul.f32 v55, v47;
	v55 =	vld.idx.msk [tilespmem:v52+s3+$0x0], $0xffff  }
0x172: {  	v32 =	vld.idx.msk [tilespmem:v32+s3+$0x0], $0xffff;
	v23 =	vmul.f32 v23, v59;
	v28 =	vmul.f32 v56, v61  }
0x173: {  	v42 =	vld.idx.msk [tilespmem:v42+s3+$0x0], $0xffff;
	v17 =	vadd.f32 $0.0e+00, v17;
	v18 =	vadd.f32 $0.0e+00, v18;
	v33 =	vmul.f32 v62, v46  }
0x174: {  	v31 =	vld.idx.msk [tilespmem:v31+s3+$0x0], $0xffff;
	v1 =	vmul.f32 v49, v1;
	v23 =	vadd.f32 $0.0e+00, v23;
	v28 =	vadd.f32 $0.0e+00, v28  }
0x175: {  	v21 =	vld.idx.msk [tilespmem:v21+s3+$0x0], $0xffff;
	v17 =	vadd.f32 v51, v17;
	v18 =	vadd.f32 v53, v18;
	v36 =	vmul.f32 v54, v36  }
0x176: {  	v20 =	vld.idx.msk [tilespmem:v20+s3+$0x0], $0xffff;
	v56 =	vmul.f32 v55, v37;
	v23 =	vadd.f32 v33, v23;
	v1 =	vadd.f32 v1, v28  }
0x177: {  	v10 =	vld.idx.msk [tilespmem:v10+s3+$0x0], $0xffff;
	v57 =	vmul.f32 v44, v34;
	v17 =	vadd.f32 v63, v17;
	v18 =	vadd.f32 v48, v18  }
0x178: {  	v9 =	vld.idx.msk [tilespmem:v9+s3+$0x0], $0xffff;
	v25 =	vmul.f32 v42, v25;
	v23 =	vadd.f32 v36, v23;
	v1 =	vadd.f32 v56, v1  }
0x179: {  	v6 =	vld.idx.msk [tilespmem:v6+s3+$0x0], $0xffff;
	v14 =	vmul.f32 v32, v14;
	v17 =	vadd.f32 v29, v17;
	v18 =	vadd.f32 v57, v18  }
0x17a: {  	v5 =	vld.idx.msk [tilespmem:v5+s3+$0x0], $0xffff;
	v16 =	vmul.f32 v31, v16;
	v23 =	vadd.f32 v25, v23;
	v1 =	vadd.f32 v26, v1  }
0x17b: {  	v7 =	vmul.f32 v21, v7;
	v61 =	vld [tilespmem:$0x1FFF0];
	v17 =	vadd.f32 v24, v17;
	v18 =	vadd.f32 v27, v18  }
0x17c: {  	v8 =	vmul.f32 v20, v8;
	v14 =	vadd.f32 v14, v23;
	v1 =	vadd.f32 v16, v1  }
0x17d: {  	v3 =	vmul.f32 v10, v3;
	v57 =	vadd.f32 v19, v17;
	v58 =	vadd.f32 v22, v18  }
0x17e: {  	v4 =	vmul.f32 v9, v4;
	v7 =	vadd.f32 v7, v14;
	v1 =	vadd.f32 v8, v1  }
0x17f: {  	v2 =	vmul.f32 v6, v2;
	v59 =	vadd.f32 v13, v57;
	v60 =	vadd.f32 v15, v58  }
0x180: {  	v3 =	vadd.f32 v3, v7;
	v1 =	vadd.f32 v4, v1;
	v4 =	vmul.f32 v5, v61  }
0x181: {  	v62 =	vadd.f32 v11, v59;
	v63 =	vadd.f32 v12, v60  }
0x182: {  	v2 =	vadd.f32 v2, v3;
	v1 =	vadd.f32 v4, v1;
	_ =	sdelay $0x1  }
0x183: {  	v3 =	vadd.f32 v63, v62;
	v1 =	vadd.f32 v1, v2;
	_ =	sdelay $0x1  }
0x184: {  	v1 =	vadd.f32 v1, v3;
	_ =	sdelay $0x1  }
0x185: {  	v1 =	vsub.f32 $0.0e+00, v1;
	_ =	sdelay $0x1  }
0x186: {  	v1 =	vmul.f32 $1.442695020e+00, v1;
	_ =	sdelay $0x1  }
0x187: {  	(erf) = vpow2.f32 v1;
	_ =	sdelay $0x7  }
0x188: {  	s19 =	smul.u32 $0xA0, s19;
	p1 =	sne.s32 s18, s8  }
.Ltmp1:
0x189: {  	v1 =	vpop (erf);
	(pc) =	sbr.rel @p1 .LBB2_2-.Ltmp1, $4  }
0x18a: {  	v1 =	vsub.f32 $1.000000000e+00, v1  }
0x18b: {  	s20 =	sadd.s32 $0x10, s20;
	s19 =	sshrl.u32 s19, $0x3  }
0x18c: {  	p0 =	por !p0, !p0;
	s19 =	sadd.s32 s7, s19;
	[tilespmem:s20+$0x0] =	vst v1  }
0x18d: {  	[hbm4b:s19+s3] =	stream.linear.scatter [tilespmem:s21], [sflag:$0x2], $0xA0, $0x38;
	[tilespmem:$0x1D880] =	vst v63  }
0x18e: {  	s17 =	sadd.s32 $0x1, s17  }
0x18f: {  	_ =	swait.ge [sflag:s16], $0xA0;
	p0 =	sne.s32 s17, s11  }
.Ltmp2:
0x190: {  	[sflag:s16] =	ssyncset.done $0x0;
	(pc) =	sbr.rel @p0 .LBB2_1-.Ltmp2, $4  }
0x191: {  	[sflag:s16] =	ssyncadd.s32 $0xFFFFFF60  }
0x192: {  	_ =	swait.ge [sflag:s16], $0xA0  }
0x193: {  	[sflag:s16] =	ssyncset.done $0x0  }
0x194: {  	[sflag:s16] =	ssyncadd.s32 $0xFFFFFF60  }
0x195: {  	_ =	sfence.sel $0x180000  }
0x196: {  	[bflag:$0x0] =	sbarrier.arrive $0xFFFF  }
0x197: {  	p0 =	sne.s32 s2, $0x0;
	_ =	strace $0x90000047  }
0x198: {  	s0 =	sadd.s32 @!p0 $0x100000, s0;
	[bflag:$0x2] =	sbarrier.arrive $0xFFFF  }
0x199: {  	[sflag:s0] =	ssyncadd.tile.s32 @!p0 $0x1;
	_ =	shalt  }
.Lfunc_end2:
_tile_overlayer_lowered:
.L_overlay_start_2:
0x19a: {  	(tag) =	ssettag $0x2  }
0x19b: {  	s0 =	rddreg [dreg:$0x0];
	s2 =	stileid.u32  }
0x19c: {  	s1 =	rddreg [dreg:$0x1];
	p0 =	sne.s32 s2, $0x0  }
0x19d: {  	s3 =	rddreg [dreg:$0x2];
	[bflag:$0x3] =	sbarrier.arrive $0xFFFF;
	s2 =	simm.s32 @!p0 $0x1C03  }
0x19e: {  	[timem:s3], [sflag:s2] =	dma.local @!p0 [hbm:s0], s1  }
0x19f: {  	s0 =	simm.s32 @!p0 $0x3  }
0x1a0: {  	_ =	swait.ge @!p0 [sflag:s0], s1  }
0x1a1: {  	s1 =	ssub.s32 @!p0 $0x0, s1;
	[sflag:s0] =	ssyncset.done @!p0 $0x0  }
0x1a2: {  	[sflag:s0] =	ssyncadd.s32 @!p0 s1  }
0x1a3: {  	[bflag:$0x3] =	sbarrier.arrive $0xFFFF  }
0x1a4: {  	_ =	shalt  }

</sc_bundles>
